<compile_context>
chip_gen: v7x
topology: tpu7x:2x2x1
jax: 0.10.2.dev20260603
libtpu: 0.0.44.dev20260713+nightly
codegen_flags: <defaults>
</compile_context>

<pallas_src>
import jax
import jax.numpy as jnp
from jax import lax
from jax.experimental import pallas as pl
from jax.experimental.pallas import tpu as pltpu
from jax.experimental.pallas import tpu_sc as plsc

_N = 10000
_NPAD = 10240
_E = 320000
_D = 128
_DH = 64
_FPT = 4
_L = 16
_K = 128
_TOTCH = _E // _K
_FB = 10
_NBLK = _TOTCH // _FB
_TOTCH_PAD = _TOTCH + 2 * _FB


def _mm_body(x_ref, w_ref, o0_ref, o1_ref):
    st = lax.dot_general(w_ref[...], x_ref[...], (((0,), (1,)), ((), ())),
                         preferred_element_type=jnp.float32)
    o0_ref[...] = st[:_DH, :]
    o1_ref[...] = st[_DH:, :]


def _sc_body(supT0, supT1, ed, bias_hbm, outT_hbm,
             tab_v, acc_v, edv0, edv1, bias_v, semi0, semi1):
    c = lax.axis_index("c")
    s = lax.axis_index("s")
    edv = (edv0, edv1)
    semi = (semi0, semi1)
    f0 = _FPT * s

    @pl.when(c == 0)
    def _stage0():
        pltpu.sync_copy(supT0.at[pl.ds(f0, _FPT)], tab_v)

    @pl.when(c == 1)
    def _stage1():
        pltpu.sync_copy(supT1.at[pl.ds(f0, _FPT)], tab_v)

    pltpu.sync_copy(bias_hbm.at[pl.ds(c * _DH, _DH)], bias_v)

    for f in range(_FPT):
        bsp = plsc.load_gather(bias_v, [jnp.zeros((_L,), jnp.int32) + (f0 + f)])

        def init_body(i, carry, f=f, bsp=bsp):
            acc_v[f, pl.ds(i * _L, _L)] = bsp
            return carry

        lax.fori_loop(0, _NPAD // _L, init_body, None)

    def issue_fetch(i, e):
        pltpu.async_copy(ed.at[pl.ds(i * _FB, _FB)], edv[e], semi[e])

    def wait_fetch(e):
        pltpu.make_async_copy(ed.at[pl.ds(0, _FB)], edv[e], semi[e]).wait()

    issue_fetch(0, 0)
    issue_fetch(1, 1)

    _GPB = _FB * (_K // _L)

    def pair_body(i, carry):
        for e in (0, 1):
            wait_fetch(e)
            ebuf = edv[e]

            @plsc.parallel_loop(0, _GPB, unroll=4)
            def group_body(g):
                q = g // (_K // _L)
                off = (g - q * (_K // _L)) * _L
                pr = ebuf[q, 0, pl.ds(off, _L)]
                col16 = lax.bitwise_and(pr, jnp.int32(0xFFFF))
                row16 = lax.shift_right_logical(pr, jnp.int32(16))
                val16 = plsc.bitcast(ebuf[q, 1, pl.ds(off, _L)], jnp.float32)
                for f in range(_FPT):
                    fx = jnp.full((_L,), f, jnp.int32)
                    gv = plsc.load_gather(tab_v, [fx, col16])
                    plsc.addupdate_scatter(acc_v, [fx, row16], gv * val16)

            issue_fetch(2 * i + e + 2, e)
        return carry

    lax.fori_loop(0, _NBLK // 2, pair_body, None)
    wait_fetch(0)
    wait_fetch(1)

    pltpu.sync_copy(acc_v, outT_hbm.at[pl.ds(c * _DH + f0, _FPT)])


def kernel(x, adj_indices, adj_values, weight, bias):
    nb = 10
    xp = jnp.concatenate([x, jnp.zeros((_NPAD - _N, _D), jnp.float32)])
    supT0, supT1 = pl.pallas_call(
        _mm_body,
        grid=(nb,),
        in_specs=[
            pl.BlockSpec((_NPAD // nb, _D), lambda i: (i, 0)),
            pl.BlockSpec((_D, _D), lambda i: (0, 0)),
        ],
        out_specs=[
            pl.BlockSpec((_DH, _NPAD // nb), lambda i: (0, i)),
            pl.BlockSpec((_DH, _NPAD // nb), lambda i: (0, i)),
        ],
        out_shape=[
            jax.ShapeDtypeStruct((_DH, _NPAD), jnp.float32),
            jax.ShapeDtypeStruct((_DH, _NPAD), jnp.float32),
        ],
    )(xp, weight)

    col = adj_indices[1].astype(jnp.int32)
    row = adj_indices[0].astype(jnp.int32)
    packed = jnp.bitwise_or(col, row << 16)
    val = jax.lax.bitcast_convert_type(adj_values.astype(jnp.float32),
                                       jnp.int32)
    pad = _TOTCH_PAD * _K - _E
    packed = jnp.concatenate([packed, jnp.zeros((pad,), jnp.int32)])
    val = jnp.concatenate([val, jnp.zeros((pad,), jnp.int32)])
    ed = jnp.stack([packed.reshape(_TOTCH_PAD, _K),
                    val.reshape(_TOTCH_PAD, _K)], axis=1)

    mesh = plsc.VectorSubcoreMesh(core_axis_name="c", subcore_axis_name="s")
    sc = pl.kernel(
        _sc_body,
        mesh=mesh,
        compiler_params=pltpu.CompilerParams(use_tc_tiling_on_sc=False,
                                             needs_layout_passes=False),
        out_type=jax.ShapeDtypeStruct((_D, _NPAD), jnp.float32),
        scratch_types=[
            pltpu.VMEM((_FPT, _NPAD), jnp.float32),
            pltpu.VMEM((_FPT, _NPAD), jnp.float32),
            pltpu.VMEM((_FB, 2, _K), jnp.int32),
            pltpu.VMEM((_FB, 2, _K), jnp.int32),
            pltpu.VMEM((_DH,), jnp.float32),
            pltpu.SemaphoreType.DMA,
            pltpu.SemaphoreType.DMA,
        ],
    )
    outT = sc(supT0, supT1, ed, bias)
    return outT[:, :_N].T

# --- scband reference (transcript-rebuilt; emitter-appended) ---
"""Pipeline reference for scband-graph-convolution-layer-10307921510886 (READ-ONLY COPY).

The authoritative reference and input builder live on the scoring server;
editing this copy changes nothing except your own understanding.
"""

import jax, jax.numpy as jnp
import numpy as np

N = 10000
E = 320000
D_IN = 128
D_OUT = 128


def setup_inputs(seed: int = 0) -> dict:
    key = jax.random.key(seed)
    k1, k2, k3, k4 = jax.random.split(key, 4)
    x = jax.random.normal(k1, (N, D_IN), dtype=jnp.float32)
    adj_indices = jax.random.randint(k2, (2, E), 0, N, dtype=jnp.int64)
    adj_values = jax.random.uniform(k3, (E,), dtype=jnp.float32)
    # learned parameters sized per init_kwargs (weight ~ randn, bias ~ zeros, as in __init__)
    weight = jax.random.normal(k4, (D_IN, D_OUT), dtype=jnp.float32)
    bias = jnp.zeros((D_OUT,), dtype=jnp.float32)
    return {"x": x, "adj_indices": adj_indices, "adj_values": adj_values, "weight": weight, "bias": bias}


def reference(x, adj_indices, adj_values, weight, bias):
    # support = torch.mm(x, self.weight)
    support = x @ weight
    # output = torch.sparse.mm(adj, support)
    # COO sparse matmul: out[row] += value * support[col]
    row = adj_indices[0]
    col = adj_indices[1]
    gathered = jnp.take(support, col, axis=0) * adj_values[:, None]
    output = jnp.zeros((x.shape[0], weight.shape[1]), dtype=support.dtype).at[row].add(gathered)
    # return output + self.bias
    return output + bias

if __name__ == "__main__":
    import jax
    _d = setup_inputs()
    print(jax.jit(kernel)(*tuple(_d.values())))

</pallas_src>

<mosaic_0001>
#map = affine_map<(d0, d1) -> (0, 0)>
#map1 = affine_map<(d0, d1) -> (0, 0, 0)>
#map2 = affine_map<(d0, d1) -> (0)>
module attributes {stable_mosaic.version = 14 : i64} {
  func.func @_sc_body(%arg0: i32, %arg1: i32, %arg2: memref<64x10240xf32, #tpu.memory_space<hbm>>, %arg3: memref<64x10240xf32, #tpu.memory_space<hbm>>, %arg4: memref<2520x2x128xi32, #tpu.memory_space<hbm>>, %arg5: memref<128xf32, #tpu.memory_space<hbm>>, %arg6: memref<128x10240xf32, #tpu.memory_space<hbm>>, %arg7: memref<4x10240xf32, #tpu.memory_space<vmem>>, %arg8: memref<4x10240xf32, #tpu.memory_space<vmem>>, %arg9: memref<10x2x128xi32, #tpu.memory_space<vmem>>, %arg10: memref<10x2x128xi32, #tpu.memory_space<vmem>>, %arg11: memref<64xf32, #tpu.memory_space<vmem>>, %arg12: memref<!tpu.dma_semaphore, #tpu.memory_space<semaphore_mem>>, %arg13: memref<!tpu.dma_semaphore, #tpu.memory_space<semaphore_mem>>) attributes {dimension_semantics = [#tpu.dimension_semantics<core_parallel>, #tpu.dimension_semantics<subcore_parallel>], iteration_bounds = array<i64: 2, 16>, scalar_prefetch = 0 : i64, scratch_operands = 7 : i64, tpu.core_type = #tpu.core_type<sc_vector_subcore>, window_params = [{transform_indices = #map}, {transform_indices = #map}, {transform_indices = #map1}, {transform_indices = #map2}, {transform_indices = #map}]} {
    %mul3A = arith.constant 4 : i32
    %mul3A_0 = arith.muli %mul3A, %arg1 : i32
    %eq3A = arith.constant 0 : i32
    %eq3A_1 = arith.cmpi eq, %arg0, %eq3A : i32
    %convert_element_type3A = arith.extui %eq3A_1 : i1 to i32
    %cond3A = arith.constant 0 : i32
    %cond3A_2 = arith.cmpi ne, %convert_element_type3A, %cond3A : i32
    scf.if %cond3A_2 {
      "tpu.region"() ({
        %run_scoped3A = tpu.sem_alloc : memref<!tpu.dma_semaphore, #tpu.memory_space<semaphore_mem>>
        %dma_start3A_92 = arith.constant 0 : i32
        %dma_start3A_93 = tpu.memref_slice %arg2[%mul3A_0, %dma_start3A_92] : memref<64x10240xf32, #tpu.memory_space<hbm>> -> memref<4x10240xf32, #tpu.memory_space<hbm>>
        %dma_start3A_94 = arith.constant 0 : i32
        %dma_start3A_95 = tpu.memref_slice %arg2[%mul3A_0, %dma_start3A_94] : memref<64x10240xf32, #tpu.memory_space<hbm>> -> memref<4x10240xf32, #tpu.memory_space<hbm>>
        tpu.enqueue_dma source(%dma_start3A_95 : memref<4x10240xf32, #tpu.memory_space<hbm>>) target(%arg7 : memref<4x10240xf32, #tpu.memory_space<vmem>>) target_semaphore(%run_scoped3A : memref<!tpu.dma_semaphore, #tpu.memory_space<semaphore_mem>>)
        %dma_wait3A_96 = arith.constant 0 : i32
        %dma_wait3A_97 = tpu.memref_slice %arg2[%mul3A_0, %dma_wait3A_96] : memref<64x10240xf32, #tpu.memory_space<hbm>> -> memref<4x10240xf32, #tpu.memory_space<hbm>>
        %dma_wait3A_98 = arith.constant 0 : i32
        %dma_wait3A_99 = tpu.memref_slice %arg2[%mul3A_0, %dma_wait3A_98] : memref<64x10240xf32, #tpu.memory_space<hbm>> -> memref<4x10240xf32, #tpu.memory_space<hbm>>
        tpu.wait_dma2 semaphore(%run_scoped3A : memref<!tpu.dma_semaphore, #tpu.memory_space<semaphore_mem>>) src(%dma_wait3A_99 : memref<4x10240xf32, #tpu.memory_space<hbm>>) dst(%arg7 : memref<4x10240xf32, #tpu.memory_space<vmem>>)
        tpu.yield
      }) : () -> ()
    } else {
    }
    %eq3A_3 = arith.constant 1 : i32
    %eq3A_4 = arith.cmpi eq, %arg0, %eq3A_3 : i32
    %convert_element_type3A_5 = arith.extui %eq3A_4 : i1 to i32
    %cond3A_6 = arith.constant 0 : i32
    %cond3A_7 = arith.cmpi ne, %convert_element_type3A_5, %cond3A_6 : i32
    scf.if %cond3A_7 {
      "tpu.region"() ({
        %run_scoped3A = tpu.sem_alloc : memref<!tpu.dma_semaphore, #tpu.memory_space<semaphore_mem>>
        %dma_start3A_92 = arith.constant 0 : i32
        %dma_start3A_93 = tpu.memref_slice %arg3[%mul3A_0, %dma_start3A_92] : memref<64x10240xf32, #tpu.memory_space<hbm>> -> memref<4x10240xf32, #tpu.memory_space<hbm>>
        %dma_start3A_94 = arith.constant 0 : i32
        %dma_start3A_95 = tpu.memref_slice %arg3[%mul3A_0, %dma_start3A_94] : memref<64x10240xf32, #tpu.memory_space<hbm>> -> memref<4x10240xf32, #tpu.memory_space<hbm>>
        tpu.enqueue_dma source(%dma_start3A_95 : memref<4x10240xf32, #tpu.memory_space<hbm>>) target(%arg7 : memref<4x10240xf32, #tpu.memory_space<vmem>>) target_semaphore(%run_scoped3A : memref<!tpu.dma_semaphore, #tpu.memory_space<semaphore_mem>>)
        %dma_wait3A_96 = arith.constant 0 : i32
        %dma_wait3A_97 = tpu.memref_slice %arg3[%mul3A_0, %dma_wait3A_96] : memref<64x10240xf32, #tpu.memory_space<hbm>> -> memref<4x10240xf32, #tpu.memory_space<hbm>>
        %dma_wait3A_98 = arith.constant 0 : i32
        %dma_wait3A_99 = tpu.memref_slice %arg3[%mul3A_0, %dma_wait3A_98] : memref<64x10240xf32, #tpu.memory_space<hbm>> -> memref<4x10240xf32, #tpu.memory_space<hbm>>
        tpu.wait_dma2 semaphore(%run_scoped3A : memref<!tpu.dma_semaphore, #tpu.memory_space<semaphore_mem>>) src(%dma_wait3A_99 : memref<4x10240xf32, #tpu.memory_space<hbm>>) dst(%arg7 : memref<4x10240xf32, #tpu.memory_space<vmem>>)
        tpu.yield
      }) : () -> ()
    } else {
    }
    %mul3A_8 = arith.constant 64 : i32
    %mul3A_9 = arith.muli %arg0, %mul3A_8 : i32
    "tpu.region"() ({
      %run_scoped3A = tpu.sem_alloc : memref<!tpu.dma_semaphore, #tpu.memory_space<semaphore_mem>>
      %dma_start3A_92 = tpu.memref_slice %arg5[%mul3A_9] : memref<128xf32, #tpu.memory_space<hbm>> -> memref<64xf32, #tpu.memory_space<hbm>>
      %dma_start3A_93 = tpu.memref_slice %arg5[%mul3A_9] : memref<128xf32, #tpu.memory_space<hbm>> -> memref<64xf32, #tpu.memory_space<hbm>>
      tpu.enqueue_dma source(%dma_start3A_93 : memref<64xf32, #tpu.memory_space<hbm>>) target(%arg11 : memref<64xf32, #tpu.memory_space<vmem>>) target_semaphore(%run_scoped3A : memref<!tpu.dma_semaphore, #tpu.memory_space<semaphore_mem>>)
      %dma_wait3A_94 = tpu.memref_slice %arg5[%mul3A_9] : memref<128xf32, #tpu.memory_space<hbm>> -> memref<64xf32, #tpu.memory_space<hbm>>
      %dma_wait3A_95 = tpu.memref_slice %arg5[%mul3A_9] : memref<128xf32, #tpu.memory_space<hbm>> -> memref<64xf32, #tpu.memory_space<hbm>>
      tpu.wait_dma2 semaphore(%run_scoped3A : memref<!tpu.dma_semaphore, #tpu.memory_space<semaphore_mem>>) src(%dma_wait3A_95 : memref<64xf32, #tpu.memory_space<hbm>>) dst(%arg11 : memref<64xf32, #tpu.memory_space<vmem>>)
      tpu.yield
    }) : () -> ()
    %broadcast_in_dim3A = arith.constant 0 : i32
    %broadcast_in_dim3A_10 = vector.broadcast %broadcast_in_dim3A : i32 to vector<16xi32>
    %add3A = arith.constant 0 : i32
    %add3A_11 = arith.addi %mul3A_0, %add3A : i32
    %add3A_12 = vector.broadcast %add3A_11 : i32 to vector<16xi32>
    %add3A_13 = arith.addi %broadcast_in_dim3A_10, %add3A_12 : vector<16xi32>
    %gather3A = tpu.vector_load_idx %arg11[%add3A_13] : memref<64xf32, #tpu.memory_space<vmem>>[vector<16xi32>], vector<16xf32>,
    %scan3A = arith.constant 0 : i32
    %scan3A_14 = arith.constant 640 : i32
    %scan3A_15 = arith.addi %scan3A, %scan3A_14 : i32
    %scan3A_16 = arith.constant 1 : i32
    scf.for %scan3A_92 = %scan3A to %scan3A_15 step %scan3A_16  : i32 {
      %mul3A_93 = arith.constant 16 : i32
      %mul3A_94 = arith.muli %scan3A_92, %mul3A_93 : i32
      %swap3A = arith.constant 0 : i32
      %swap3A_95 = arith.index_cast %swap3A : i32 to index
      %swap3A_96 = arith.index_cast %mul3A_94 : i32 to index
      %swap3A_97 = tpu.vector_load %arg8[%swap3A_95, %swap3A_96] {strides = array<i32>} : memref<4x10240xf32, #tpu.memory_space<vmem>>, vector<16xf32>,
      tpu.vector_store %arg8[%swap3A_95, %swap3A_96], %gather3A {strides = array<i32>} : memref<4x10240xf32, #tpu.memory_space<vmem>>, vector<16xf32>,
    }
    %scan3A_17 = arith.constant 640 : i32
    %broadcast_in_dim3A_18 = arith.constant 0 : i32
    %broadcast_in_dim3A_19 = vector.broadcast %broadcast_in_dim3A_18 : i32 to vector<16xi32>
    %add3A_20 = arith.constant 1 : i32
    %add3A_21 = arith.addi %mul3A_0, %add3A_20 : i32
    %add3A_22 = vector.broadcast %add3A_21 : i32 to vector<16xi32>
    %add3A_23 = arith.addi %broadcast_in_dim3A_19, %add3A_22 : vector<16xi32>
    %gather3A_24 = tpu.vector_load_idx %arg11[%add3A_23] : memref<64xf32, #tpu.memory_space<vmem>>[vector<16xi32>], vector<16xf32>,
    %scan3A_25 = arith.constant 0 : i32
    %scan3A_26 = arith.constant 640 : i32
    %scan3A_27 = arith.addi %scan3A_25, %scan3A_26 : i32
    %scan3A_28 = arith.constant 1 : i32
    scf.for %scan3A_92 = %scan3A_25 to %scan3A_27 step %scan3A_28  : i32 {
      %mul3A_93 = arith.constant 16 : i32
      %mul3A_94 = arith.muli %scan3A_92, %mul3A_93 : i32
      %swap3A = arith.constant 1 : i32
      %swap3A_95 = arith.index_cast %swap3A : i32 to index
      %swap3A_96 = arith.index_cast %mul3A_94 : i32 to index
      %swap3A_97 = tpu.vector_load %arg8[%swap3A_95, %swap3A_96] {strides = array<i32>} : memref<4x10240xf32, #tpu.memory_space<vmem>>, vector<16xf32>,
      tpu.vector_store %arg8[%swap3A_95, %swap3A_96], %gather3A_24 {strides = array<i32>} : memref<4x10240xf32, #tpu.memory_space<vmem>>, vector<16xf32>,
    }
    %scan3A_29 = arith.constant 640 : i32
    %broadcast_in_dim3A_30 = arith.constant 0 : i32
    %broadcast_in_dim3A_31 = vector.broadcast %broadcast_in_dim3A_30 : i32 to vector<16xi32>
    %add3A_32 = arith.constant 2 : i32
    %add3A_33 = arith.addi %mul3A_0, %add3A_32 : i32
    %add3A_34 = vector.broadcast %add3A_33 : i32 to vector<16xi32>
    %add3A_35 = arith.addi %broadcast_in_dim3A_31, %add3A_34 : vector<16xi32>
    %gather3A_36 = tpu.vector_load_idx %arg11[%add3A_35] : memref<64xf32, #tpu.memory_space<vmem>>[vector<16xi32>], vector<16xf32>,
    %scan3A_37 = arith.constant 0 : i32
    %scan3A_38 = arith.constant 640 : i32
    %scan3A_39 = arith.addi %scan3A_37, %scan3A_38 : i32
    %scan3A_40 = arith.constant 1 : i32
    scf.for %scan3A_92 = %scan3A_37 to %scan3A_39 step %scan3A_40  : i32 {
      %mul3A_93 = arith.constant 16 : i32
      %mul3A_94 = arith.muli %scan3A_92, %mul3A_93 : i32
      %swap3A = arith.constant 2 : i32
      %swap3A_95 = arith.index_cast %swap3A : i32 to index
      %swap3A_96 = arith.index_cast %mul3A_94 : i32 to index
      %swap3A_97 = tpu.vector_load %arg8[%swap3A_95, %swap3A_96] {strides = array<i32>} : memref<4x10240xf32, #tpu.memory_space<vmem>>, vector<16xf32>,
      tpu.vector_store %arg8[%swap3A_95, %swap3A_96], %gather3A_36 {strides = array<i32>} : memref<4x10240xf32, #tpu.memory_space<vmem>>, vector<16xf32>,
    }
    %scan3A_41 = arith.constant 640 : i32
    %broadcast_in_dim3A_42 = arith.constant 0 : i32
    %broadcast_in_dim3A_43 = vector.broadcast %broadcast_in_dim3A_42 : i32 to vector<16xi32>
    %add3A_44 = arith.constant 3 : i32
    %add3A_45 = arith.addi %mul3A_0, %add3A_44 : i32
    %add3A_46 = vector.broadcast %add3A_45 : i32 to vector<16xi32>
    %add3A_47 = arith.addi %broadcast_in_dim3A_43, %add3A_46 : vector<16xi32>
    %gather3A_48 = tpu.vector_load_idx %arg11[%add3A_47] : memref<64xf32, #tpu.memory_space<vmem>>[vector<16xi32>], vector<16xf32>,
    %scan3A_49 = arith.constant 0 : i32
    %scan3A_50 = arith.constant 640 : i32
    %scan3A_51 = arith.addi %scan3A_49, %scan3A_50 : i32
    %scan3A_52 = arith.constant 1 : i32
    scf.for %scan3A_92 = %scan3A_49 to %scan3A_51 step %scan3A_52  : i32 {
      %mul3A_93 = arith.constant 16 : i32
      %mul3A_94 = arith.muli %scan3A_92, %mul3A_93 : i32
      %swap3A = arith.constant 3 : i32
      %swap3A_95 = arith.index_cast %swap3A : i32 to index
      %swap3A_96 = arith.index_cast %mul3A_94 : i32 to index
      %swap3A_97 = tpu.vector_load %arg8[%swap3A_95, %swap3A_96] {strides = array<i32>} : memref<4x10240xf32, #tpu.memory_space<vmem>>, vector<16xf32>,
      tpu.vector_store %arg8[%swap3A_95, %swap3A_96], %gather3A_48 {strides = array<i32>} : memref<4x10240xf32, #tpu.memory_space<vmem>>, vector<16xf32>,
    }
    %scan3A_53 = arith.constant 640 : i32
    %dma_start3A = arith.constant 0 : i32
    %dma_start3A_54 = arith.constant 0 : i32
    %dma_start3A_55 = arith.constant 0 : i32
    %dma_start3A_56 = tpu.memref_slice %arg4[%dma_start3A, %dma_start3A_54, %dma_start3A_55] : memref<2520x2x128xi32, #tpu.memory_space<hbm>> -> memref<10x2x128xi32, #tpu.memory_space<hbm>>
    %dma_start3A_57 = arith.constant 0 : i32
    %dma_start3A_58 = arith.constant 0 : i32
    %dma_start3A_59 = arith.constant 0 : i32
    %dma_start3A_60 = tpu.memref_slice %arg4[%dma_start3A_57, %dma_start3A_58, %dma_start3A_59] : memref<2520x2x128xi32, #tpu.memory_space<hbm>> -> memref<10x2x128xi32, #tpu.memory_space<hbm>>
    tpu.enqueue_dma source(%dma_start3A_60 : memref<10x2x128xi32, #tpu.memory_space<hbm>>) target(%arg9 : memref<10x2x128xi32, #tpu.memory_space<vmem>>) target_semaphore(%arg12 : memref<!tpu.dma_semaphore, #tpu.memory_space<semaphore_mem>>)
    %dma_start3A_61 = arith.constant 10 : i32
    %dma_start3A_62 = arith.constant 0 : i32
    %dma_start3A_63 = arith.constant 0 : i32
    %dma_start3A_64 = tpu.memref_slice %arg4[%dma_start3A_61, %dma_start3A_62, %dma_start3A_63] : memref<2520x2x128xi32, #tpu.memory_space<hbm>> -> memref<10x2x128xi32, #tpu.memory_space<hbm>>
    %dma_start3A_65 = arith.constant 10 : i32
    %dma_start3A_66 = arith.constant 0 : i32
    %dma_start3A_67 = arith.constant 0 : i32
    %dma_start3A_68 = tpu.memref_slice %arg4[%dma_start3A_65, %dma_start3A_66, %dma_start3A_67] : memref<2520x2x128xi32, #tpu.memory_space<hbm>> -> memref<10x2x128xi32, #tpu.memory_space<hbm>>
    tpu.enqueue_dma source(%dma_start3A_68 : memref<10x2x128xi32, #tpu.memory_space<hbm>>) target(%arg10 : memref<10x2x128xi32, #tpu.memory_space<vmem>>) target_semaphore(%arg13 : memref<!tpu.dma_semaphore, #tpu.memory_space<semaphore_mem>>)
    %scan3A_69 = arith.constant 0 : i32
    %scan3A_70 = arith.constant 125 : i32
    %scan3A_71 = arith.addi %scan3A_69, %scan3A_70 : i32
    %scan3A_72 = arith.constant 1 : i32
    scf.for %scan3A_92 = %scan3A_69 to %scan3A_71 step %scan3A_72  : i32 {
      %dma_wait3A_93 = arith.constant 0 : i32
      %dma_wait3A_94 = arith.constant 0 : i32
      %dma_wait3A_95 = arith.constant 0 : i32
      %dma_wait3A_96 = tpu.memref_slice %arg4[%dma_wait3A_93, %dma_wait3A_94, %dma_wait3A_95] : memref<2520x2x128xi32, #tpu.memory_space<hbm>> -> memref<10x2x128xi32, #tpu.memory_space<hbm>>
      %dma_wait3A_97 = arith.constant 0 : i32
      %dma_wait3A_98 = arith.constant 0 : i32
      %dma_wait3A_99 = arith.constant 0 : i32
      %dma_wait3A_100 = tpu.memref_slice %arg4[%dma_wait3A_97, %dma_wait3A_98, %dma_wait3A_99] : memref<2520x2x128xi32, #tpu.memory_space<hbm>> -> memref<10x2x128xi32, #tpu.memory_space<hbm>>
      tpu.wait_dma2 semaphore(%arg12 : memref<!tpu.dma_semaphore, #tpu.memory_space<semaphore_mem>>) src(%dma_wait3A_100 : memref<10x2x128xi32, #tpu.memory_space<hbm>>) dst(%arg9 : memref<10x2x128xi32, #tpu.memory_space<vmem>>)
      %parallel_loop3A = arith.constant 0 : i32
      %parallel_loop3A_101 = arith.constant 80 : i32
      %parallel_loop3A_102 = arith.constant 1 : i32
      scf.for %parallel_loop3A_142 = %parallel_loop3A to %parallel_loop3A_101 step %parallel_loop3A_102  : i32 {
        %parallel_loop3A_143 = arith.constant 8 : i32
        %parallel_loop3A_144 = arith.divsi %parallel_loop3A_142, %parallel_loop3A_143 : i32
        %parallel_loop3A_145 = arith.constant 0 : i32
        %parallel_loop3A_146 = arith.cmpi sgt, %parallel_loop3A_142, %parallel_loop3A_145 : i32
        %parallel_loop3A_147 = arith.extui %parallel_loop3A_146 : i1 to i32
        %parallel_loop3A_148 = arith.constant 0 : i32
        %parallel_loop3A_149 = arith.cmpi slt, %parallel_loop3A_142, %parallel_loop3A_148 : i32
        %parallel_loop3A_150 = arith.extui %parallel_loop3A_149 : i1 to i32
        %parallel_loop3A_151 = arith.subi %parallel_loop3A_147, %parallel_loop3A_150 : i32
        %parallel_loop3A_152 = arith.constant 0 : i32
        %parallel_loop3A_153 = arith.cmpi sgt, %parallel_loop3A_143, %parallel_loop3A_152 : i32
        %parallel_loop3A_154 = arith.extui %parallel_loop3A_153 : i1 to i32
        %parallel_loop3A_155 = arith.constant 0 : i32
        %parallel_loop3A_156 = arith.cmpi slt, %parallel_loop3A_143, %parallel_loop3A_155 : i32
        %parallel_loop3A_157 = arith.extui %parallel_loop3A_156 : i1 to i32
        %parallel_loop3A_158 = arith.subi %parallel_loop3A_154, %parallel_loop3A_157 : i32
        %parallel_loop3A_159 = arith.cmpi ne, %parallel_loop3A_151, %parallel_loop3A_158 : i32
        %parallel_loop3A_160 = arith.remsi %parallel_loop3A_142, %parallel_loop3A_143 : i32
        %parallel_loop3A_161 = arith.constant 0 : i32
        %parallel_loop3A_162 = arith.cmpi ne, %parallel_loop3A_160, %parallel_loop3A_161 : i32
        %parallel_loop3A_163 = arith.andi %parallel_loop3A_159, %parallel_loop3A_162 : i1
        %parallel_loop3A_164 = arith.constant 1 : i32
        %parallel_loop3A_165 = arith.subi %parallel_loop3A_144, %parallel_loop3A_164 : i32
        %parallel_loop3A_166 = arith.select %parallel_loop3A_163, %parallel_loop3A_165, %parallel_loop3A_144 : i32
        %parallel_loop3A_167 = arith.constant 8 : i32
        %parallel_loop3A_168 = arith.muli %parallel_loop3A_166, %parallel_loop3A_167 : i32
        %parallel_loop3A_169 = arith.subi %parallel_loop3A_142, %parallel_loop3A_168 : i32
        %parallel_loop3A_170 = arith.constant 16 : i32
        %parallel_loop3A_171 = arith.muli %parallel_loop3A_169, %parallel_loop3A_170 : i32
        %parallel_loop3A_172 = arith.constant 0 : i32
        %parallel_loop3A_173 = arith.index_cast %parallel_loop3A_166 : i32 to index
        %parallel_loop3A_174 = arith.index_cast %parallel_loop3A_172 : i32 to index
        %parallel_loop3A_175 = arith.index_cast %parallel_loop3A_171 : i32 to index
        %parallel_loop3A_176 = tpu.vector_load %arg9[%parallel_loop3A_173, %parallel_loop3A_174, %parallel_loop3A_175] {strides = array<i32>} : memref<10x2x128xi32, #tpu.memory_space<vmem>>, vector<16xi32>,
        %parallel_loop3A_177 = arith.constant 65535 : i32
        %parallel_loop3A_178 = vector.broadcast %parallel_loop3A_177 : i32 to vector<16xi32>
        %parallel_loop3A_179 = arith.andi %parallel_loop3A_176, %parallel_loop3A_178 : vector<16xi32>
        %parallel_loop3A_180 = arith.constant 16 : i32
        %parallel_loop3A_181 = vector.broadcast %parallel_loop3A_180 : i32 to vector<16xi32>
        %parallel_loop3A_182 = arith.shrui %parallel_loop3A_176, %parallel_loop3A_181 : vector<16xi32>
        %parallel_loop3A_183 = arith.constant 1 : i32
        %parallel_loop3A_184 = arith.index_cast %parallel_loop3A_166 : i32 to index
        %parallel_loop3A_185 = arith.index_cast %parallel_loop3A_183 : i32 to index
        %parallel_loop3A_186 = arith.index_cast %parallel_loop3A_171 : i32 to index
        %parallel_loop3A_187 = tpu.vector_load %arg9[%parallel_loop3A_184, %parallel_loop3A_185, %parallel_loop3A_186] {strides = array<i32>} : memref<10x2x128xi32, #tpu.memory_space<vmem>>, vector<16xi32>,
        %parallel_loop3A_188 = vector.bitcast %parallel_loop3A_187 : vector<16xi32> to vector<16xf32>
        %parallel_loop3A_189 = arith.constant 0 : i32
        %parallel_loop3A_190 = vector.broadcast %parallel_loop3A_189 : i32 to vector<16xi32>
        %parallel_loop3A_191 = tpu.vector_load_idx %arg7[%parallel_loop3A_190, %parallel_loop3A_179] : memref<4x10240xf32, #tpu.memory_space<vmem>>[vector<16xi32>, vector<16xi32>], vector<16xf32>,
        %parallel_loop3A_192 = arith.mulf %parallel_loop3A_191, %parallel_loop3A_188 : vector<16xf32>
        tpu.vector_store_idx %arg8[%parallel_loop3A_190, %parallel_loop3A_182], %parallel_loop3A_192 {add = true} : memref<4x10240xf32, #tpu.memory_space<vmem>>[vector<16xi32>, vector<16xi32>], vector<16xf32>,
        %parallel_loop3A_193 = arith.constant 1 : i32
        %parallel_loop3A_194 = vector.broadcast %parallel_loop3A_193 : i32 to vector<16xi32>
        %parallel_loop3A_195 = tpu.vector_load_idx %arg7[%parallel_loop3A_194, %parallel_loop3A_179] : memref<4x10240xf32, #tpu.memory_space<vmem>>[vector<16xi32>, vector<16xi32>], vector<16xf32>,
        %parallel_loop3A_196 = arith.mulf %parallel_loop3A_195, %parallel_loop3A_188 : vector<16xf32>
        tpu.vector_store_idx %arg8[%parallel_loop3A_194, %parallel_loop3A_182], %parallel_loop3A_196 {add = true} : memref<4x10240xf32, #tpu.memory_space<vmem>>[vector<16xi32>, vector<16xi32>], vector<16xf32>,
        %parallel_loop3A_197 = arith.constant 2 : i32
        %parallel_loop3A_198 = vector.broadcast %parallel_loop3A_197 : i32 to vector<16xi32>
        %parallel_loop3A_199 = tpu.vector_load_idx %arg7[%parallel_loop3A_198, %parallel_loop3A_179] : memref<4x10240xf32, #tpu.memory_space<vmem>>[vector<16xi32>, vector<16xi32>], vector<16xf32>,
        %parallel_loop3A_200 = arith.mulf %parallel_loop3A_199, %parallel_loop3A_188 : vector<16xf32>
        tpu.vector_store_idx %arg8[%parallel_loop3A_198, %parallel_loop3A_182], %parallel_loop3A_200 {add = true} : memref<4x10240xf32, #tpu.memory_space<vmem>>[vector<16xi32>, vector<16xi32>], vector<16xf32>,
        %parallel_loop3A_201 = arith.constant 3 : i32
        %parallel_loop3A_202 = vector.broadcast %parallel_loop3A_201 : i32 to vector<16xi32>
        %parallel_loop3A_203 = tpu.vector_load_idx %arg7[%parallel_loop3A_202, %parallel_loop3A_179] : memref<4x10240xf32, #tpu.memory_space<vmem>>[vector<16xi32>, vector<16xi32>], vector<16xf32>,
        %parallel_loop3A_204 = arith.mulf %parallel_loop3A_203, %parallel_loop3A_188 : vector<16xf32>
        tpu.vector_store_idx %arg8[%parallel_loop3A_202, %parallel_loop3A_182], %parallel_loop3A_204 {add = true} : memref<4x10240xf32, #tpu.memory_space<vmem>>[vector<16xi32>, vector<16xi32>], vector<16xf32>,
      } {sc.loop_unroll_factor = 4 : i64, sc.parallel_access}
      %mul3A_103 = arith.constant 2 : i32
      %mul3A_104 = arith.muli %mul3A_103, %scan3A_92 : i32
      %add3A_105 = arith.constant 0 : i32
      %add3A_106 = arith.addi %mul3A_104, %add3A_105 : i32
      %add3A_107 = arith.constant 2 : i32
      %add3A_108 = arith.addi %add3A_106, %add3A_107 : i32
      %mul3A_109 = arith.constant 10 : i32
      %mul3A_110 = arith.muli %add3A_108, %mul3A_109 : i32
      %dma_start3A_111 = arith.constant 0 : i32
      %dma_start3A_112 = arith.constant 0 : i32
      %dma_start3A_113 = tpu.memref_slice %arg4[%mul3A_110, %dma_start3A_111, %dma_start3A_112] : memref<2520x2x128xi32, #tpu.memory_space<hbm>> -> memref<10x2x128xi32, #tpu.memory_space<hbm>>
      %dma_start3A_114 = arith.constant 0 : i32
      %dma_start3A_115 = arith.constant 0 : i32
      %dma_start3A_116 = tpu.memref_slice %arg4[%mul3A_110, %dma_start3A_114, %dma_start3A_115] : memref<2520x2x128xi32, #tpu.memory_space<hbm>> -> memref<10x2x128xi32, #tpu.memory_space<hbm>>
      tpu.enqueue_dma source(%dma_start3A_116 : memref<10x2x128xi32, #tpu.memory_space<hbm>>) target(%arg9 : memref<10x2x128xi32, #tpu.memory_space<vmem>>) target_semaphore(%arg12 : memref<!tpu.dma_semaphore, #tpu.memory_space<semaphore_mem>>)
      %dma_wait3A_117 = arith.constant 0 : i32
      %dma_wait3A_118 = arith.constant 0 : i32
      %dma_wait3A_119 = arith.constant 0 : i32
      %dma_wait3A_120 = tpu.memref_slice %arg4[%dma_wait3A_117, %dma_wait3A_118, %dma_wait3A_119] : memref<2520x2x128xi32, #tpu.memory_space<hbm>> -> memref<10x2x128xi32, #tpu.memory_space<hbm>>
      %dma_wait3A_121 = arith.constant 0 : i32
      %dma_wait3A_122 = arith.constant 0 : i32
      %dma_wait3A_123 = arith.constant 0 : i32
      %dma_wait3A_124 = tpu.memref_slice %arg4[%dma_wait3A_121, %dma_wait3A_122, %dma_wait3A_123] : memref<2520x2x128xi32, #tpu.memory_space<hbm>> -> memref<10x2x128xi32, #tpu.memory_space<hbm>>
      tpu.wait_dma2 semaphore(%arg13 : memref<!tpu.dma_semaphore, #tpu.memory_space<semaphore_mem>>) src(%dma_wait3A_124 : memref<10x2x128xi32, #tpu.memory_space<hbm>>) dst(%arg10 : memref<10x2x128xi32, #tpu.memory_space<vmem>>)
      %parallel_loop3A_125 = arith.constant 0 : i32
      %parallel_loop3A_126 = arith.constant 80 : i32
      %parallel_loop3A_127 = arith.constant 1 : i32
      scf.for %parallel_loop3A_142 = %parallel_loop3A_125 to %parallel_loop3A_126 step %parallel_loop3A_127  : i32 {
        %parallel_loop3A_143 = arith.constant 8 : i32
        %parallel_loop3A_144 = arith.divsi %parallel_loop3A_142, %parallel_loop3A_143 : i32
        %parallel_loop3A_145 = arith.constant 0 : i32
        %parallel_loop3A_146 = arith.cmpi sgt, %parallel_loop3A_142, %parallel_loop3A_145 : i32
        %parallel_loop3A_147 = arith.extui %parallel_loop3A_146 : i1 to i32
        %parallel_loop3A_148 = arith.constant 0 : i32
        %parallel_loop3A_149 = arith.cmpi slt, %parallel_loop3A_142, %parallel_loop3A_148 : i32
        %parallel_loop3A_150 = arith.extui %parallel_loop3A_149 : i1 to i32
        %parallel_loop3A_151 = arith.subi %parallel_loop3A_147, %parallel_loop3A_150 : i32
        %parallel_loop3A_152 = arith.constant 0 : i32
        %parallel_loop3A_153 = arith.cmpi sgt, %parallel_loop3A_143, %parallel_loop3A_152 : i32
        %parallel_loop3A_154 = arith.extui %parallel_loop3A_153 : i1 to i32
        %parallel_loop3A_155 = arith.constant 0 : i32
        %parallel_loop3A_156 = arith.cmpi slt, %parallel_loop3A_143, %parallel_loop3A_155 : i32
        %parallel_loop3A_157 = arith.extui %parallel_loop3A_156 : i1 to i32
        %parallel_loop3A_158 = arith.subi %parallel_loop3A_154, %parallel_loop3A_157 : i32
        %parallel_loop3A_159 = arith.cmpi ne, %parallel_loop3A_151, %parallel_loop3A_158 : i32
        %parallel_loop3A_160 = arith.remsi %parallel_loop3A_142, %parallel_loop3A_143 : i32
        %parallel_loop3A_161 = arith.constant 0 : i32
        %parallel_loop3A_162 = arith.cmpi ne, %parallel_loop3A_160, %parallel_loop3A_161 : i32
        %parallel_loop3A_163 = arith.andi %parallel_loop3A_159, %parallel_loop3A_162 : i1
        %parallel_loop3A_164 = arith.constant 1 : i32
        %parallel_loop3A_165 = arith.subi %parallel_loop3A_144, %parallel_loop3A_164 : i32
        %parallel_loop3A_166 = arith.select %parallel_loop3A_163, %parallel_loop3A_165, %parallel_loop3A_144 : i32
        %parallel_loop3A_167 = arith.constant 8 : i32
        %parallel_loop3A_168 = arith.muli %parallel_loop3A_166, %parallel_loop3A_167 : i32
        %parallel_loop3A_169 = arith.subi %parallel_loop3A_142, %parallel_loop3A_168 : i32
        %parallel_loop3A_170 = arith.constant 16 : i32
        %parallel_loop3A_171 = arith.muli %parallel_loop3A_169, %parallel_loop3A_170 : i32
        %parallel_loop3A_172 = arith.constant 0 : i32
        %parallel_loop3A_173 = arith.index_cast %parallel_loop3A_166 : i32 to index
        %parallel_loop3A_174 = arith.index_cast %parallel_loop3A_172 : i32 to index
        %parallel_loop3A_175 = arith.index_cast %parallel_loop3A_171 : i32 to index
        %parallel_loop3A_176 = tpu.vector_load %arg10[%parallel_loop3A_173, %parallel_loop3A_174, %parallel_loop3A_175] {strides = array<i32>} : memref<10x2x128xi32, #tpu.memory_space<vmem>>, vector<16xi32>,
        %parallel_loop3A_177 = arith.constant 65535 : i32
        %parallel_loop3A_178 = vector.broadcast %parallel_loop3A_177 : i32 to vector<16xi32>
        %parallel_loop3A_179 = arith.andi %parallel_loop3A_176, %parallel_loop3A_178 : vector<16xi32>
        %parallel_loop3A_180 = arith.constant 16 : i32
        %parallel_loop3A_181 = vector.broadcast %parallel_loop3A_180 : i32 to vector<16xi32>
        %parallel_loop3A_182 = arith.shrui %parallel_loop3A_176, %parallel_loop3A_181 : vector<16xi32>
        %parallel_loop3A_183 = arith.constant 1 : i32
        %parallel_loop3A_184 = arith.index_cast %parallel_loop3A_166 : i32 to index
        %parallel_loop3A_185 = arith.index_cast %parallel_loop3A_183 : i32 to index
        %parallel_loop3A_186 = arith.index_cast %parallel_loop3A_171 : i32 to index
        %parallel_loop3A_187 = tpu.vector_load %arg10[%parallel_loop3A_184, %parallel_loop3A_185, %parallel_loop3A_186] {strides = array<i32>} : memref<10x2x128xi32, #tpu.memory_space<vmem>>, vector<16xi32>,
        %parallel_loop3A_188 = vector.bitcast %parallel_loop3A_187 : vector<16xi32> to vector<16xf32>
        %parallel_loop3A_189 = arith.constant 0 : i32
        %parallel_loop3A_190 = vector.broadcast %parallel_loop3A_189 : i32 to vector<16xi32>
        %parallel_loop3A_191 = tpu.vector_load_idx %arg7[%parallel_loop3A_190, %parallel_loop3A_179] : memref<4x10240xf32, #tpu.memory_space<vmem>>[vector<16xi32>, vector<16xi32>], vector<16xf32>,
        %parallel_loop3A_192 = arith.mulf %parallel_loop3A_191, %parallel_loop3A_188 : vector<16xf32>
        tpu.vector_store_idx %arg8[%parallel_loop3A_190, %parallel_loop3A_182], %parallel_loop3A_192 {add = true} : memref<4x10240xf32, #tpu.memory_space<vmem>>[vector<16xi32>, vector<16xi32>], vector<16xf32>,
        %parallel_loop3A_193 = arith.constant 1 : i32
        %parallel_loop3A_194 = vector.broadcast %parallel_loop3A_193 : i32 to vector<16xi32>
        %parallel_loop3A_195 = tpu.vector_load_idx %arg7[%parallel_loop3A_194, %parallel_loop3A_179] : memref<4x10240xf32, #tpu.memory_space<vmem>>[vector<16xi32>, vector<16xi32>], vector<16xf32>,
        %parallel_loop3A_196 = arith.mulf %parallel_loop3A_195, %parallel_loop3A_188 : vector<16xf32>
        tpu.vector_store_idx %arg8[%parallel_loop3A_194, %parallel_loop3A_182], %parallel_loop3A_196 {add = true} : memref<4x10240xf32, #tpu.memory_space<vmem>>[vector<16xi32>, vector<16xi32>], vector<16xf32>,
        %parallel_loop3A_197 = arith.constant 2 : i32
        %parallel_loop3A_198 = vector.broadcast %parallel_loop3A_197 : i32 to vector<16xi32>
        %parallel_loop3A_199 = tpu.vector_load_idx %arg7[%parallel_loop3A_198, %parallel_loop3A_179] : memref<4x10240xf32, #tpu.memory_space<vmem>>[vector<16xi32>, vector<16xi32>], vector<16xf32>,
        %parallel_loop3A_200 = arith.mulf %parallel_loop3A_199, %parallel_loop3A_188 : vector<16xf32>
        tpu.vector_store_idx %arg8[%parallel_loop3A_198, %parallel_loop3A_182], %parallel_loop3A_200 {add = true} : memref<4x10240xf32, #tpu.memory_space<vmem>>[vector<16xi32>, vector<16xi32>], vector<16xf32>,
        %parallel_loop3A_201 = arith.constant 3 : i32
        %parallel_loop3A_202 = vector.broadcast %parallel_loop3A_201 : i32 to vector<16xi32>
        %parallel_loop3A_203 = tpu.vector_load_idx %arg7[%parallel_loop3A_202, %parallel_loop3A_179] : memref<4x10240xf32, #tpu.memory_space<vmem>>[vector<16xi32>, vector<16xi32>], vector<16xf32>,
        %parallel_loop3A_204 = arith.mulf %parallel_loop3A_203, %parallel_loop3A_188 : vector<16xf32>
        tpu.vector_store_idx %arg8[%parallel_loop3A_202, %parallel_loop3A_182], %parallel_loop3A_204 {add = true} : memref<4x10240xf32, #tpu.memory_space<vmem>>[vector<16xi32>, vector<16xi32>], vector<16xf32>,
      } {sc.loop_unroll_factor = 4 : i64, sc.parallel_access}
      %mul3A_128 = arith.constant 2 : i32
      %mul3A_129 = arith.muli %mul3A_128, %scan3A_92 : i32
      %add3A_130 = arith.constant 1 : i32
      %add3A_131 = arith.addi %mul3A_129, %add3A_130 : i32
      %add3A_132 = arith.constant 2 : i32
      %add3A_133 = arith.addi %add3A_131, %add3A_132 : i32
      %mul3A_134 = arith.constant 10 : i32
      %mul3A_135 = arith.muli %add3A_133, %mul3A_134 : i32
      %dma_start3A_136 = arith.constant 0 : i32
      %dma_start3A_137 = arith.constant 0 : i32
      %dma_start3A_138 = tpu.memref_slice %arg4[%mul3A_135, %dma_start3A_136, %dma_start3A_137] : memref<2520x2x128xi32, #tpu.memory_space<hbm>> -> memref<10x2x128xi32, #tpu.memory_space<hbm>>
      %dma_start3A_139 = arith.constant 0 : i32
      %dma_start3A_140 = arith.constant 0 : i32
      %dma_start3A_141 = tpu.memref_slice %arg4[%mul3A_135, %dma_start3A_139, %dma_start3A_140] : memref<2520x2x128xi32, #tpu.memory_space<hbm>> -> memref<10x2x128xi32, #tpu.memory_space<hbm>>
      tpu.enqueue_dma source(%dma_start3A_141 : memref<10x2x128xi32, #tpu.memory_space<hbm>>) target(%arg10 : memref<10x2x128xi32, #tpu.memory_space<vmem>>) target_semaphore(%arg13 : memref<!tpu.dma_semaphore, #tpu.memory_space<semaphore_mem>>)
    }
    %scan3A_73 = arith.constant 125 : i32
    %dma_wait3A = arith.constant 0 : i32
    %dma_wait3A_74 = arith.constant 0 : i32
    %dma_wait3A_75 = arith.constant 0 : i32
    %dma_wait3A_76 = tpu.memref_slice %arg4[%dma_wait3A, %dma_wait3A_74, %dma_wait3A_75] : memref<2520x2x128xi32, #tpu.memory_space<hbm>> -> memref<10x2x128xi32, #tpu.memory_space<hbm>>
    %dma_wait3A_77 = arith.constant 0 : i32
    %dma_wait3A_78 = arith.constant 0 : i32
    %dma_wait3A_79 = arith.constant 0 : i32
    %dma_wait3A_80 = tpu.memref_slice %arg4[%dma_wait3A_77, %dma_wait3A_78, %dma_wait3A_79] : memref<2520x2x128xi32, #tpu.memory_space<hbm>> -> memref<10x2x128xi32, #tpu.memory_space<hbm>>
    tpu.wait_dma2 semaphore(%arg12 : memref<!tpu.dma_semaphore, #tpu.memory_space<semaphore_mem>>) src(%dma_wait3A_80 : memref<10x2x128xi32, #tpu.memory_space<hbm>>) dst(%arg9 : memref<10x2x128xi32, #tpu.memory_space<vmem>>)
    %dma_wait3A_81 = arith.constant 0 : i32
    %dma_wait3A_82 = arith.constant 0 : i32
    %dma_wait3A_83 = arith.constant 0 : i32
    %dma_wait3A_84 = tpu.memref_slice %arg4[%dma_wait3A_81, %dma_wait3A_82, %dma_wait3A_83] : memref<2520x2x128xi32, #tpu.memory_space<hbm>> -> memref<10x2x128xi32, #tpu.memory_space<hbm>>
    %dma_wait3A_85 = arith.constant 0 : i32
    %dma_wait3A_86 = arith.constant 0 : i32
    %dma_wait3A_87 = arith.constant 0 : i32
    %dma_wait3A_88 = tpu.memref_slice %arg4[%dma_wait3A_85, %dma_wait3A_86, %dma_wait3A_87] : memref<2520x2x128xi32, #tpu.memory_space<hbm>> -> memref<10x2x128xi32, #tpu.memory_space<hbm>>
    tpu.wait_dma2 semaphore(%arg13 : memref<!tpu.dma_semaphore, #tpu.memory_space<semaphore_mem>>) src(%dma_wait3A_88 : memref<10x2x128xi32, #tpu.memory_space<hbm>>) dst(%arg10 : memref<10x2x128xi32, #tpu.memory_space<vmem>>)
    %mul3A_89 = arith.constant 64 : i32
    %mul3A_90 = arith.muli %arg0, %mul3A_89 : i32
    %add3A_91 = arith.addi %mul3A_90, %mul3A_0 : i32
    "tpu.region"() ({
      %run_scoped3A = tpu.sem_alloc : memref<!tpu.dma_semaphore, #tpu.memory_space<semaphore_mem>>
      %dma_start3A_92 = arith.constant 0 : i32
      %dma_start3A_93 = tpu.memref_slice %arg6[%add3A_91, %dma_start3A_92] : memref<128x10240xf32, #tpu.memory_space<hbm>> -> memref<4x10240xf32, #tpu.memory_space<hbm>>
      %dma_start3A_94 = arith.constant 0 : i32
      %dma_start3A_95 = tpu.memref_slice %arg6[%add3A_91, %dma_start3A_94] : memref<128x10240xf32, #tpu.memory_space<hbm>> -> memref<4x10240xf32, #tpu.memory_space<hbm>>
      tpu.enqueue_dma source(%arg8 : memref<4x10240xf32, #tpu.memory_space<vmem>>) target(%dma_start3A_95 : memref<4x10240xf32, #tpu.memory_space<hbm>>) target_semaphore(%run_scoped3A : memref<!tpu.dma_semaphore, #tpu.memory_space<semaphore_mem>>)
      %dma_wait3A_96 = arith.constant 0 : i32
      %dma_wait3A_97 = tpu.memref_slice %arg6[%add3A_91, %dma_wait3A_96] : memref<128x10240xf32, #tpu.memory_space<hbm>> -> memref<4x10240xf32, #tpu.memory_space<hbm>>
      %dma_wait3A_98 = arith.constant 0 : i32
      %dma_wait3A_99 = tpu.memref_slice %arg6[%add3A_91, %dma_wait3A_98] : memref<128x10240xf32, #tpu.memory_space<hbm>> -> memref<4x10240xf32, #tpu.memory_space<hbm>>
      tpu.wait_dma2 semaphore(%run_scoped3A : memref<!tpu.dma_semaphore, #tpu.memory_space<semaphore_mem>>) src(%arg8 : memref<4x10240xf32, #tpu.memory_space<vmem>>) dst(%dma_wait3A_99 : memref<4x10240xf32, #tpu.memory_space<hbm>>)
      tpu.yield
    }) : () -> ()
    return
  }
}

module attributes {stable_mosaic.version = 14 : i64} {
  func.func @_mm_body(%arg0: i32, %arg1: memref<1024x128xf32, #tpu.memory_space<vmem>>, %arg2: memref<128x128xf32, #tpu.memory_space<vmem>>, %arg3: memref<64x1024xf32, #tpu.memory_space<vmem>>, %arg4: memref<64x1024xf32, #tpu.memory_space<vmem>>) attributes {dimension_semantics = [#tpu.dimension_semantics<arbitrary>], iteration_bounds = array<i64: 10>, scalar_prefetch = 0 : i64, scratch_operands = 0 : i64, tpu.core_type = #tpu.core_type<tc>, window_params = [{transform_indices = @transform_0, window_bounds = array<i64: 1024, 128>}, {pipeline_mode = #tpu.pipeline_mode<synchronous>, transform_indices = @transform_1, window_bounds = array<i64: 128, 128>}, {transform_indices = @transform_2, window_bounds = array<i64: 64, 1024>}, {transform_indices = @transform_3, window_bounds = array<i64: 64, 1024>}]} {
    %get3A = arith.constant 0 : index
    %get3A_0 = arith.constant 0 : index
    %get3A_1 = vector.load %arg2[%get3A, %get3A_0] : memref<128x128xf32, #tpu.memory_space<vmem>>, vector<128x128xf32>
    %get3A_2 = arith.constant 0 : index
    %get3A_3 = arith.constant 0 : index
    %get3A_4 = vector.load %arg1[%get3A_2, %get3A_3] : memref<1024x128xf32, #tpu.memory_space<vmem>>, vector<1024x128xf32>
    %dot_general3A = arith.constant dense<0.000000e+00> : vector<128x1024xf32>
    %dot_general3A_5 = tpu.matmul %get3A_1, %get3A_4, %dot_general3A {dimension_numbers = #tpu.dot_dimension_numbers<[0], [1], [1], [0], [0, 1, 1, 0], [], []>, transpose_lhs_hint = false} : vector<128x128xf32>, vector<1024x128xf32>, vector<128x1024xf32> -> vector<128x1024xf32>
    %slice3A = vector.extract_strided_slice %dot_general3A_5 {offsets = [0, 0], sizes = [64, 1024], strides = [1, 1]} : vector<128x1024xf32> to vector<64x1024xf32>
    %swap3A = arith.constant 0 : index
    %swap3A_6 = arith.constant 0 : index
    %swap3A_7 = vector.load %arg3[%swap3A, %swap3A_6] : memref<64x1024xf32, #tpu.memory_space<vmem>>, vector<64x1024xf32>
    tpu.vector_store %arg3[%swap3A, %swap3A_6], %slice3A {strides = array<i32>} : memref<64x1024xf32, #tpu.memory_space<vmem>>, vector<64x1024xf32>,
    %slice3A_8 = vector.extract_strided_slice %dot_general3A_5 {offsets = [64, 0], sizes = [64, 1024], strides = [1, 1]} : vector<128x1024xf32> to vector<64x1024xf32>
    %swap3A_9 = arith.constant 0 : index
    %swap3A_10 = arith.constant 0 : index
    %swap3A_11 = vector.load %arg4[%swap3A_9, %swap3A_10] : memref<64x1024xf32, #tpu.memory_space<vmem>>, vector<64x1024xf32>
    tpu.vector_store %arg4[%swap3A_9, %swap3A_10], %slice3A_8 {strides = array<i32>} : memref<64x1024xf32, #tpu.memory_space<vmem>>, vector<64x1024xf32>,
    return
  }
  func.func @transform_0(%arg0: i32) -> (i32, i32) {
    %c0_i32 = arith.constant 0 : i32
    %c0_i32_0 = arith.constant 0 : i32
    return %arg0, %c0_i32 : i32, i32
  }
  func.func @transform_1(%arg0: i32) -> (i32, i32) {
    %c0_i32 = arith.constant 0 : i32
    %c0_i32_0 = arith.constant 0 : i32
    %c0_i32_1 = arith.constant 0 : i32
    return %c0_i32, %c0_i32_0 : i32, i32
  }
  func.func @transform_2(%arg0: i32) -> (i32, i32) {
    %c0_i32 = arith.constant 0 : i32
    %c0_i32_0 = arith.constant 0 : i32
    return %c0_i32, %arg0 : i32, i32
  }
  func.func @transform_3(%arg0: i32) -> (i32, i32) {
    %c0_i32 = arith.constant 0 : i32
    %c0_i32_0 = arith.constant 0 : i32
    return %c0_i32, %arg0 : i32, i32
  }
}

</mosaic_0001>

<sc_bundles>
// kernel: kernel.4.cloned.1.call-start
scs
__scs_entry_jumppad:
0x0: {  	(pc) =	sbr.rel $0x88, $3  }
0x1: {  	(tag) =	ssettag $0x0;
	lr =	simm.s32 $0x1  }
0x2: {  	[smem:$0x3F9C] =	sst lr;
	_ =	strace $0xD0000000  }
0x3: {  	_ = 	snop  }
0x4: {  	_ = 	snop  }
0x5: {  	_ = 	snop  }
0x6: {  	_ = 	snop  }
0x7: {  	_ = 	snop  }
__scs_overlays_trampoline_lowered:
0x8: {  	[smem:$0x3FAB] =	sst s0  }
0x9: {  	[smem:$0x3FAC] =	sst s1  }
0xa: {  	[smem:$0x3FAD] =	sst s2  }
0xb: {  	[smem:$0x3FAE] =	sst s3  }
0xc: {  	[smem:$0x3FAF] =	sst s4  }
0xd: {  	[smem:$0x3FB0] =	sst s5  }
0xe: {  	[smem:$0x3FB1] =	sst s6  }
0xf: {  	[smem:$0x3FB2] =	sst s7  }
0x10: {  	[smem:$0x3FB3] =	sst s8  }
0x11: {  	[smem:$0x3FB4] =	sst s9;
	s0 =	simm.s32 @!p0 $0x0  }
0x12: {  	s1 =	sld [smem:$0x3F9A];
	s0 =	simm.s32 @p0 $0x1  }
0x13: {  	[smem:$0x3FB5] =	sst s0;
	s0 =	simm.s32 @!p1 $0x0  }
0x14: {  	s2 =	sld [smem:$0x3F99];
	s0 =	simm.s32 @p1 $0x1  }
0x15: {  	[smem:$0x3FB6] =	sst s0;
	s0 =	simm.s32 @!p2 $0x0  }
0x16: {  	s3 =	sld [smem:$0x3FDB];
	s0 =	simm.s32 @p2 $0x1  }
0x17: {  	s4 =	simm.s32 $0x1BF5;
	[smem:$0x3FB8] =	sst s0  }
0x18: {  	s0 =	sld [smem:$0x3F9B];
	_ =	swait.ge [sflag:s4], $0x0  }
0x19: {  	s7 =	sld [smem:$0x3F9C]  }
0x1a: {  	s8 =	sadd.s32 $0xFFFFE003, lr  }
0x1b: {  	s9 =	sadd.s32 $0xFFFFFEF7, lr;
	s5 =	simm.s32 $0xFFFFFFFF;
	p2 =	slt.u32 s8, $0xFFFFF086  }
0x1c: {  	p1 =	slt.u32 s9, $0xF7A;
	s5 =	simm.s32 @!p2 $0x0  }
0x1d: {  	s5 =	simm.s32 @p1 $0x1;
	p0 =	seq.s32 s7, s2  }
0x1e: {  	s7 =	smul.u32 @!p0 $0xF7A, s2;
	p2 =	seq.s32 @!p0 s5, $0x0  }
0x1f: {  	s9 =	smul.u32 $0xF7A, s1;
	s8 =	simm.s32 @!p0 $0x1BF5;
	p2 =	por !p2, p0  }
0x20: {  	[sflag:s8] =	ssyncset.s32 @!p0 $0xFFFFF086;
	s6 =	sadd.s32 @!p0 s3, s7;
	s7 =	simm.s32 @!p0 $0x108  }
0x21: {  	s3 =	sadd.s32 s3, s9;
	s6 =	sadd.s32 @!p0 $0x88, s6;
	s7 =	simm.s32 @p2 $0x1082  }
0x22: {  	[simem:s7], [sflag:s8] =	dma.local @!p0 [hbm:s6], $0xF7A  }
0x23: {  	s9 =	sor.u32 $0xD0000000, s2;
	s6 =	simm.s32 $0x108;
	_ =	swait.ge @!p0 [sflag:s8], $0x0  }
0x24: {  	s3 =	sadd.s32 $0x88, s3;
	s6 =	simm.s32 @!p1 $0x1082;
	[sflag:s4] =	ssyncset.s32 $0xFFFFF086  }
0x25: {  	[simem:s6], [sflag:s4] =	dma.local [hbm:s3], $0xF7A  }
0x26: {  	[smem:$0x3F9C] =	sst s1;
	(tag) =	ssettag s2;
	_ =	strace s9  }
0x27: {  	s1 =	sld [smem:$0x3FAC]  }
0x28: {  	s2 =	sld [smem:$0x3FAD]  }
0x29: {  	s4 =	sld [smem:$0x3FAF]  }
0x2a: {  	p0 =	seq.s32 s5, $0x0;
	s5 =	sld [smem:$0x3FB0]  }
0x2b: {  	s6 =	sld [smem:$0x3FB1]  }
0x2c: {  	s7 =	sld [smem:$0x3FB2]  }
0x2d: {  	s3 =	simm.s32 $0x108;
	s8 =	sld [smem:$0x3FB3]  }
0x2e: {  	s3 =	simm.s32 @!p0 $0x1082;
	s9 =	sld [smem:$0x3FB4]  }
0x2f: {  	lr =	sadd.s32 s0, s3;
	s0 =	sld [smem:$0x3FAB]  }
0x30: {  	s3 =	sld [smem:$0x3FAE]  }
0x31: {  	[smem:$0x3FB7] =	sst s10  }
0x32: {  	s10 =	sld [smem:$0x3FB5];
	_ =	sdelay $0x3  }
0x33: {  	p0 =	seq.s32 s10, $0x1;
	s10 =	sld [smem:$0x3FB7];
	_ =	sdelay $0x3  }
0x34: {  	[smem:$0x3FB7] =	sst s10  }
0x35: {  	s10 =	sld [smem:$0x3FB6];
	_ =	sdelay $0x3  }
0x36: {  	p1 =	seq.s32 s10, $0x1;
	s10 =	sld [smem:$0x3FB7];
	_ =	sdelay $0x3  }
0x37: {  	[smem:$0x3FB7] =	sst s10  }
0x38: {  	s10 =	sld [smem:$0x3FB8]  }
0x39: {  	_ = 	snop;
	(pc) =	sbr.ind lr, $3  }
0x3a: {  	_ = 	snop  }
0x3b: {  	_ = 	snop  }
0x3c: {  	p2 =	seq.s32 s10, $0x1;
	s10 =	sld [smem:$0x3FB7]  }
0x3d: {  	_ =	shalt  }
0x3e: {  	_ =	shalt  }
0x3f: {  	_ =	shalt  }
0x40: {  	_ =	shalt  }
0x41: {  	_ =	shalt  }
0x42: {  	_ =	shalt  }
0x43: {  	_ =	shalt  }
0x44: {  	_ =	shalt  }
0x45: {  	_ =	shalt  }
0x46: {  	_ =	shalt  }
0x47: {  	_ =	shalt  }
0x48: {  	_ =	shalt  }
0x49: {  	_ =	shalt  }
0x4a: {  	_ =	shalt  }
0x4b: {  	_ =	shalt  }
0x4c: {  	_ =	shalt  }
0x4d: {  	_ =	shalt  }
0x4e: {  	_ =	shalt  }
0x4f: {  	_ =	shalt  }
0x50: {  	_ =	shalt  }
0x51: {  	_ =	shalt  }
0x52: {  	_ =	shalt  }
0x53: {  	_ =	shalt  }
0x54: {  	_ =	shalt  }
0x55: {  	_ =	shalt  }
0x56: {  	_ =	shalt  }
0x57: {  	_ =	shalt  }
0x58: {  	_ =	shalt  }
0x59: {  	_ =	shalt  }
0x5a: {  	_ =	shalt  }
0x5b: {  	_ =	shalt  }
0x5c: {  	_ =	shalt  }
0x5d: {  	_ =	shalt  }
0x5e: {  	_ =	shalt  }
0x5f: {  	_ =	shalt  }
0x60: {  	_ =	shalt  }
0x61: {  	_ =	shalt  }
0x62: {  	_ =	shalt  }
0x63: {  	_ =	shalt  }
0x64: {  	_ =	shalt  }
0x65: {  	_ =	shalt  }
0x66: {  	_ =	shalt  }
0x67: {  	_ =	shalt  }
0x68: {  	_ =	shalt  }
0x69: {  	_ =	shalt  }
0x6a: {  	_ =	shalt  }
0x6b: {  	_ =	shalt  }
0x6c: {  	_ =	shalt  }
0x6d: {  	_ =	shalt  }
0x6e: {  	_ =	shalt  }
0x6f: {  	_ =	shalt  }
0x70: {  	_ =	shalt  }
0x71: {  	_ =	shalt  }
0x72: {  	_ =	shalt  }
0x73: {  	_ =	shalt  }
0x74: {  	_ =	shalt  }
0x75: {  	_ =	shalt  }
0x76: {  	_ =	shalt  }
0x77: {  	_ =	shalt  }
0x78: {  	_ =	shalt  }
0x79: {  	_ =	shalt  }
0x7a: {  	_ =	shalt  }
0x7b: {  	_ =	shalt  }
0x7c: {  	_ =	shalt  }
0x7d: {  	_ =	shalt  }
0x7e: {  	_ =	shalt  }
0x7f: {  	_ =	shalt  }
0x80: {  	_ =	shalt  }
0x81: {  	_ =	shalt  }
0x82: {  	_ =	shalt  }
0x83: {  	_ =	shalt  }
0x84: {  	_ =	shalt  }
0x85: {  	_ =	shalt  }
0x86: {  	_ =	shalt  }
0x87: {  	_ =	shalt  }
.Lfunc_end0:
.L_simem_size_0:
called_computation_lowered:
.L_overlay_start_0:
0x88: {  	s2 =	sld [smem:$0x3FD9]  }
0x89: {  	s3 =	sld [smem:$0x3FFE];
	_ =	sdelay $0x1  }
0x8a: {  	s1 =	srdreg.scid  }
0x8b: {  	s0 =	sand.u32 $0x1, s1  }
0x8c: {  	s17 =	sshll.u32 s0, $0xA;
	s2 =	sadd.s32 s3, s2  }
0x8d: {  	s2 =	sadd.s32 s2, s17  }
0x8e: {  	[smem:$0x3FC3] =	sst s2  }
0x8f: {  	_ = 	snop  }
0x90: {  	s2 =	sld [smem:$0x3FC5]  }
0x91: {  	s18 =	sld [smem:$0x3FD0];
	(tm) =	ssettm $0x1  }
0x92: {  	s4 =	sld [smem:$0x3FFB];
	_ =	sdelay $0x3  }
0x93: {  	_ =	strace s4  }
0x94: {  	s4 =	sld [smem:$0x3FFC];
	_ =	sdelay $0x3  }
0x95: {  	_ =	strace s4  }
0x96: {  	s4 =	sld [smem:$0x3FFD];
	_ =	sdelay $0x3  }
0x97: {  	_ =	strace s4  }
0x98: {  	_ =	strace $0x8FFFFFFF  }
0x99: {  	s19 =	sld [smem:$0x3FDB];
	_ =	sdelay $0x1  }
0x9a: {  	s5 =	simm.s32 $_scs_section_size  }
0x9b: {  	s6 =	simm.s32 $_size__tile_overlayer_lowered;
	s7 =	simm.s32 $_tile_overlayer_lowered  }
0x9c: {  	s22 =	simm.s32 $0x1BFF;
	s21 =	sshll.u32 s7, $0x1;
	s4 =	sadd.s32 s5, s19  }
0x9d: {  	s8 =	simm.s32 $0x0;
	s20 =	sshll.u32 s6, $0x1;
	s6 =	sadd.s32 s21, s4  }
0x9e: {  	[timem:s8], [sflag:s22] =	dma.local [hbm:s6], s20  }
0x9f: {  	_ =	swait.ge [sflag:s22], s20  }
0xa0: {  	s5 =	ssub.s32 $0x0, s20;
	[sflag:s22] =	ssyncset.done $0x0  }
0xa1: {  	[sflag:s22] =	ssyncadd.s32 s5;
	_ =	sdelay $0x1  }
0xa2: {  	s23 =	simm.s32 $0x1B8B  }
0xa3: {  	_ =	swait.ge [sflag:s23], $0x1  }
0xa4: {  	[sflag:s23] =	ssyncset.done $0x0  }
0xa5: {  	s25 =	simm.s32 $0x1B8E;
	s24 =	sld [smem:$0x3FFE];
	[sflag:s23] =	ssyncadd.s32 $0xFFFFFFFF  }
0xa6: {  	s26 =	simm.s32 $execute0_lowered;
	[smem:$0x3FD2] =	sst s25  }
0xa7: {  	s6 =	sshll.u32 s26, $0x1;
	_ =	strace $0x80000046;
	[dreg:$0x1] =	wrdreg $0xFFFFFFFF  }
0xa8: {  	s28 =	simm.s32 $_size_execute0_lowered;
	s4 =	sadd.s32 s4, s6;
	[dreg:$0x0] =	wrdreg $0x0  }
0xa9: {  	s6 =	sshll.u32 s28, $0x1;
	[dreg:$0x2] =	wrdreg s4  }
0xaa: {  	[dreg:$0x3] =	wrdreg s6  }
0xab: {  	[dreg:$0x4] =	wrdreg $0xC0  }
0xac: {  	_ =	task [dreg:s8], $0x5FFFF  }
0xad: {  	[dreg:$0x1] =	wrdreg $0xFFFFFFFF  }
0xae: {  	[dreg:$0x0] =	wrdreg $0x60  }
0xaf: {  	[dreg:$0x2] =	wrdreg s18  }
0xb0: {  	[dreg:$0x3] =	wrdreg s24  }
0xb1: {  	[dreg:$0x4] =	wrdreg s2  }
0xb2: {  	[dreg:$0x5] =	wrdreg $0x9  }
0xb3: {  	_ =	task.clear_ibuf [dreg:s8], $0x6FFFF;
	_ =	strace $0x90000046  }
0xb4: {  	s29 =	simm.s32 $0x9;
	_ =	strace $0x80000048  }
0xb5: {  	_ =	swait.ge [sflag:s29], $0x1  }
0xb6: {  	[sflag:s29] =	ssyncadd.s32 $0xFFFFFFFF  }
0xb7: {  	_ =	strace $0x90000048  }
0xb8: {  	_ =	sfence  }
0xb9: {  	s30 =	sld [smem:$0x0];
	_ =	sdelay $0x2  }
0xba: {  	s31 =	sshll.u32 s1, $0xD;
	s1 =	sshrl.u32 s1, $0x2  }
0xbb: {  	s3 =	sand.u32 $0x4000, s31;
	s1 =	sadd.s32 s1, s30  }
0xbc: {  	s0 =	sor.u32 s3, s0;
	s1 =	sshll.u32 s1, $0x11  }
0xbd: {  	s0 =	sor.u32 s1, s0  }
0xbe: {  	s0 =	sadd.s32 $0x8F2B, s0  }
0xbf: {  	[sflag:s0] =	ssyncadd.remote.s32 $0x1  }
0xc0: {  	_ =	sfence.sel $0xFFFF  }
0xc1: {  	[dreg:$0x0] =	wrdreg $0xFFFFFFFF;
	(pc) =	sbr.abs _section_cstart, $3  }
0xc2: {  	[dreg:$0x1] =	wrdreg $0xFFFFFFFF  }
0xc3: {  	_ =	task.clear_ibuf [dreg:s8], $0x2FFFF;
	_ =	strace $0x9FFFFFFF  }
0xc4: {  	(tm) =	ssettm $0x7FFFFFFF  }
0xc5: {  	_ =	shalt  }
tec
execute0_lowered:
.L_overlay_start_1:
0x0: {  	(tag) =	ssettag $0x1  }
0x1: {  	s8 =	rddreg [dreg:$0x0];
	s1 =	srdreg.scid  }
0x2: {  	s5 =	rddreg [dreg:$0x1];
	s0 =	stileid.u32  }
0x3: {  	s6 =	rddreg [dreg:$0x2];
	s2 =	simm.s32 $0x0;
	s16 =	simm.s32 $0x0  }
0x4: {  	s4 =	sand.u32 $0x1, s1;
	s9 =	sshll.u32 s0, $0x2;
	s1 =	rddreg [dreg:$0x3]  }
0x5: {  	[smem:$0x7FF] =	sst s2;
	s10 =	sadd.s32 $0xE00, s5;
	s31 =	smul.u32 $0x1400, s0  }
0x6: {  	s15 =	sshllo.u32 s0, $0x2;
	s3 =	sshll.u32 s4, $0x6;
	_ =	strace $0x80000047  }
0x7: {  	s11 =	ssub.s32 $0x2, s4;
	p0 =	seq.s32 s4, $0x1;
	s4 =	sshll.u32 s4, $0x3  }
0x8: {  	s13 =	sor.u32 $0x1, s9;
	s14 =	sor.u32 $0x2, s9;
	v3 =	vmov s15;
	s15 =	simm.s32 $0x2  }
0x9: {  	s3 =	sor.u32 s9, s3;
	s12 =	sshrl.u32 s11, $0x1;
	s4 =	sadd.s32 s6, s4  }
0xa: {  	v0 =	vmov s9;
	s8 =	smov.u32 @p0 s10;
	s9 =	simm.s32 $0x3;
	s10 =	simm.s32 $0x15400  }
0xb: {  	v1 =	vmov s13;
	v2 =	vmov s14;
	s13 =	simm.s32 $0x1;
	s14 =	simm.s32 $0xA000;
	s7 =	smul.u32 $0x500, s3  }
0xc: {  	s3 =	sadd.s32 $0x14E00, s5;
	s11 =	ssub.s32 s11, s12;
	s8 =	sadd.s32 s8, s31  }
0xd: {  	v0 =	vbroadcast v0, $0x0;
	s12 =	simm.s32 $0x14A00;
	s7 =	sadd.s32 s7, s5;
	s5 =	sadd.s32 $0x14F40, s5  }
0xe: {  	v1 =	vbroadcast v1, $0x0;
	v2 =	vbroadcast v2, $0x0;
	s6 =	sadd.s32 $0x28A00, s7;
	s7 =	smax.u32 s11, $0x1;
	s11 =	simm.s32 $0x14000  }
.LBB2_1:
0xf: {  	[tilespmem:s2], [sflag:$0x3] =	stream.linear.gather [hbm4b:s8+s2], $0xA000, $0x38;
	[tilespmem:$0x15440] =	vst v63  }
0x10: {  	_ =	swait.ge [sflag:s9], $0xA000  }
0x11: {  	[sflag:s9] =	ssyncset.done $0x0  }
0x12: {  	[sflag:s9] =	ssyncadd.s32 $0xFFFF6000  }
0x13: {  	[tilespmem:s10], [sflag:$0x3] =	stream.linear.gather [hbm4b:s4+s2], $0x40, $0x38;
	[tilespmem:$0x15440] =	vst v63  }
0x14: {  	_ =	swait.ge [sflag:s9], $0x40  }
0x15: {  	[sflag:s9] =	ssyncset.done $0x0  }
0x16: {  	[sflag:s9] =	ssyncadd.s32 $0xFFFFFFC0  }
0x17: {  	v4 =	vld.idx.msk [tilespmem:v0+s10+$0x0], $0xffff;
	_ =	sdelay $0x3  }
0x18: {  	s17 =	simm.s32 $0x40;
	s18 =	simm.s32 $0x0  }
.LBB2_2:
0x19: {  	p0 =	sne.s32 s17, $0x9FC0;
	[tilespmem:s18+$0xA000] =	vst v4;
	s18 =	smov.u32 s17;
	s17 =	sadd.s32 $0x40, s17  }
.Ltmp0:
0x1a: {  	(pc) =	sbr.rel @p0 .LBB2_2-.Ltmp0, $2  }
0x1b: {  	_ =	sdelay $0x2  }
0x1c: {  	s18 =	sshra.s32 s18, $0x2  }
0x1d: {  	_ =	sdelay $0x2  }
0x1e: {  	[tilespmem:s18+$0xA000] =	vst v4  }
0x1f: {  	v4 =	vld.idx.msk [tilespmem:v1+s10+$0x0], $0xffff;
	_ =	sdelay $0x3  }
0x20: {  	s17 =	simm.s32 $0x40;
	s18 =	simm.s32 $0x0  }
.LBB2_4:
0x21: {  	p0 =	sne.s32 s17, $0x9FC0;
	[tilespmem:s18+$0xC800] =	vst v4;
	s18 =	smov.u32 s17;
	s17 =	sadd.s32 $0x40, s17  }
.Ltmp1:
0x22: {  	(pc) =	sbr.rel @p0 .LBB2_4-.Ltmp1, $2  }
0x23: {  	_ =	sdelay $0x2  }
0x24: {  	s18 =	sshra.s32 s18, $0x2  }
0x25: {  	_ =	sdelay $0x2  }
0x26: {  	[tilespmem:s18+$0xC800] =	vst v4  }
0x27: {  	v4 =	vld.idx.msk [tilespmem:v2+s10+$0x0], $0xffff;
	_ =	sdelay $0x3  }
0x28: {  	s17 =	simm.s32 $0x40;
	s18 =	simm.s32 $0x0  }
.LBB2_6:
0x29: {  	p0 =	sne.s32 s17, $0x9FC0;
	[tilespmem:s18+$0xF000] =	vst v4;
	s18 =	smov.u32 s17;
	s17 =	sadd.s32 $0x40, s17  }
.Ltmp2:
0x2a: {  	(pc) =	sbr.rel @p0 .LBB2_6-.Ltmp2, $2  }
0x2b: {  	_ =	sdelay $0x2  }
0x2c: {  	s18 =	sshra.s32 s18, $0x2  }
0x2d: {  	_ =	sdelay $0x2  }
0x2e: {  	[tilespmem:s18+$0xF000] =	vst v4  }
0x2f: {  	v4 =	vld.idx.msk [tilespmem:v3+s10+$0x0], $0xffff;
	_ =	sdelay $0x3  }
0x30: {  	s17 =	simm.s32 $0x40;
	s18 =	simm.s32 $0x0  }
.LBB2_8:
0x31: {  	p0 =	sne.s32 s17, $0x9FC0;
	[tilespmem:s18+$0x11800] =	vst v4;
	s18 =	smov.u32 s17;
	s17 =	sadd.s32 $0x40, s17  }
.Ltmp3:
0x32: {  	(pc) =	sbr.rel @p0 .LBB2_8-.Ltmp3, $2  }
0x33: {  	_ =	sdelay $0x2  }
0x34: {  	s18 =	sshra.s32 s18, $0x2  }
0x35: {  	[tilespmem:s18+$0x11800] =	vst v4;
	s17 =	simm.s32 $0x0  }
0x36: {  	[tilespmem:s11], [sflag:$0x1] =	stream.linear.gather [hbm4b:s3+s17], $0xA00, $0x38;
	[tilespmem:$0x15440] =	vst v63  }
0x37: {  	_ = 	snop  }
0x38: {  	[tilespmem:s12], [sflag:$0x2] =	stream.linear.gather [hbm4b:s5+s17], $0xA00, $0x38;
	[tilespmem:$0x15440] =	vst v63  }
.LBB2_10:
0x39: {  	_ =	swait.ge [sflag:s13], $0xA00;
	s18 =	simm.s32 $0x0  }
0x3a: {  	[sflag:s13] =	ssyncset.done $0x0;
	s18 =	sand.u32 $0x3FFFFF80, s18  }
0x3b: {  	[sflag:s13] =	ssyncadd.s32 $0xFFFFF600;
	s18 =	sadd.s32 $0x14000, s18  }
0x3c: {  	v4 =	vld [tilespmem:s18+$0x30]  }
0x3d: {  	v5 =	vld [tilespmem:s18+$0x0];
	_ =	sdelay $0x1  }
0x3e: {  	v7 =	vld [tilespmem:s18+$0x20];
	_ =	sdelay $0x1  }
0x3f: {  	v6 =	vld [tilespmem:s18+$0x10];
	v8 =	vand.u32 $0xFFFF, v4  }
0x40: {  	v10 =	vand.u32 $0xFFFF, v5;
	_ =	sdelay $0x1  }
0x41: {  	v9 =	vld [tilespmem:s18+$0x80];
	v13 =	vand.u32 $0xFFFF, v7  }
0x42: {  	v15 =	vld [tilespmem:s18+$0xB0]  }
0x43: {  	v11 =	vand.u32 $0xFFFF, v6;
	v14 =	vld.idx.msk [tilespmem:v8+s2+$0x0], $0xffff  }
0x44: {  	v16 =	vld.idx.msk [tilespmem:v10+s2+$0x0], $0xffff  }
0x45: {  	v18 =	vld [tilespmem:s18+$0xA0];
	v4 =	vshrl.u32 v4, $0x10  }
0x46: {  	v20 =	vshrl.u32 v5, $0x10;
	v5 =	vld.idx.msk [tilespmem:v13+s2+$0x0], $0xffff  }
0x47: {  	v12 =	vld [tilespmem:s18+$0x90];
	v19 =	vadd.s32 $0x2800, v8  }
0x48: {  	v21 =	vshrl.u32 v6, $0x10;
	v17 =	vld.idx.msk [tilespmem:v11+s2+$0x0], $0xffff;
	v6 =	vmul.f32 v14, v15;
	v14 =	vshrl.u32 v7, $0x10  }
0x49: {  	v7 =	vadd.s32 $0x2800, v10;
	v16 =	vmul.f32 v16, v9  }
0x4a: {  	[tilespmem:v4+s14+$0x0] =	vst.idx.add.f32.msk $0xffff, v6  }
0x4b: {  	v5 =	vmul.f32 v5, v18;
	v6 =	vadd.s32 $0x2800, v11;
	[tilespmem:v20+s14+$0x0] =	vst.idx.add.f32.msk $0xffff, v16  }
0x4c: {  	v22 =	vadd.s32 $0x2800, v13;
	v19 =	vld.idx.msk [tilespmem:v19+s2+$0x0], $0xffff  }
0x4d: {  	v17 =	vmul.f32 v17, v12;
	[tilespmem:v14+s14+$0x0] =	vst.idx.add.f32.msk $0xffff, v5  }
0x4e: {  	v5 =	vadd.s32 $0x2800, v4;
	v7 =	vld.idx.msk [tilespmem:v7+s2+$0x0], $0xffff  }
0x4f: {  	[tilespmem:v21+s14+$0x0] =	vst.idx.add.f32.msk $0xffff, v17;
	v16 =	vadd.s32 $0x5000, v8  }
0x50: {  	v17 =	vadd.s32 $0x2800, v20;
	v6 =	vld.idx.msk [tilespmem:v6+s2+$0x0], $0xffff  }
0x51: {  	v22 =	vld.idx.msk [tilespmem:v22+s2+$0x0], $0xffff;
	v19 =	vmul.f32 v19, v15  }
0x52: {  	v23 =	vadd.s32 $0x2800, v21  }
0x53: {  	s31 =	simm.s32 $0x40;
	v24 =	vadd.s32 $0x2800, v14;
	[tilespmem:v5+s14+$0x0] =	vst.idx.add.f32.msk $0xffff, v19;
	v7 =	vmul.f32 v7, v9  }
0x54: {  	s18 =	sand.u32 $0x3FFFFF80, s31;
	v19 =	vadd.s32 $0x5000, v11;
	v16 =	vld.idx.msk [tilespmem:v16+s2+$0x0], $0xffff  }
0x55: {  	s18 =	sadd.s32 $0x14040, s18;
	v6 =	vmul.f32 v6, v12;
	[tilespmem:v17+s14+$0x0] =	vst.idx.add.f32.msk $0xffff, v7  }
0x56: {  	v7 =	vmul.f32 v22, v18;
	v17 =	vadd.s32 $0x5000, v4;
	v22 =	vld [tilespmem:s18+$0x10]  }
0x57: {  	[tilespmem:v23+s14+$0x0] =	vst.idx.add.f32.msk $0xffff, v6;
	v6 =	vadd.s32 $0x7800, v8  }
0x58: {  	[tilespmem:v24+s14+$0x0] =	vst.idx.add.f32.msk $0xffff, v7  }
0x59: {  	v5 =	vadd.s32 $0x5000, v10;
	v7 =	vmul.f32 v16, v15;
	v16 =	vld.idx.msk [tilespmem:v19+s2+$0x0], $0xffff  }
0x5a: {  	v19 =	vld [tilespmem:s18+$0x0]  }
0x5b: {  	[tilespmem:v17+s14+$0x0] =	vst.idx.add.f32.msk $0xffff, v7  }
0x5c: {  	v8 =	vadd.s32 $0x5000, v13;
	v6 =	vld.idx.msk [tilespmem:v6+s2+$0x0], $0xffff  }
0x5d: {  	v54 =	vld [tilespmem:s18+$0x20];
	v27 =	vand.u32 $0xFFFF, v22  }
0x5e: {  	v5 =	vld.idx.msk [tilespmem:v5+s2+$0x0], $0xffff;
	v7 =	vadd.s32 $0x7800, v4  }
0x5f: {  	v17 =	vld [tilespmem:s18+$0x30]  }
0x60: {  	v4 =	vld [tilespmem:s18+$0x80];
	v26 =	vand.u32 $0xFFFF, v19  }
0x61: {  	v23 =	vadd.s32 $0x5000, v20;
	v8 =	vld.idx.msk [tilespmem:v8+s2+$0x0], $0xffff;
	v6 =	vmul.f32 v6, v15  }
0x62: {  	v30 =	vld.idx.msk [tilespmem:v27+s2+$0x0], $0xffff  }
0x63: {  	v15 =	vadd.s32 $0x5000, v21;
	[tilespmem:v7+s14+$0x0] =	vst.idx.add.f32.msk $0xffff, v6  }
0x64: {  	v25 =	vand.u32 $0xFFFF, v17;
	v7 =	vmul.f32 v5, v9;
	v5 =	vld [tilespmem:s18+$0x90]  }
0x65: {  	v29 =	vld.idx.msk [tilespmem:v26+s2+$0x0], $0xffff  }
0x66: {  	v10 =	vadd.s32 $0x7800, v10;
	v16 =	vmul.f32 v16, v12;
	[tilespmem:v23+s14+$0x0] =	vst.idx.add.f32.msk $0xffff, v7  }
0x67: {  	v23 =	vand.u32 $0xFFFF, v54;
	v7 =	vld [tilespmem:s18+$0xB0]  }
0x68: {  	v32 =	vshrl.u32 v19, $0x10;
	[tilespmem:v15+s14+$0x0] =	vst.idx.add.f32.msk $0xffff, v16  }
0x69: {  	v15 =	vadd.s32 $0x5000, v14;
	v16 =	vld.idx.msk [tilespmem:v25+s2+$0x0], $0xffff  }
0x6a: {  	v22 =	vshrl.u32 v22, $0x10;
	v6 =	vld [tilespmem:s18+$0xA0]  }
0x6b: {  	v28 =	vadd.s32 $0x7800, v11;
	v11 =	vshrl.u32 v17, $0x10;
	v10 =	vld.idx.msk [tilespmem:v10+s2+$0x0], $0xffff;
	v19 =	vmul.f32 v29, v4  }
0x6c: {  	v8 =	vmul.f32 v8, v18;
	v31 =	vadd.s32 $0x2800, v25;
	v17 =	vld.idx.msk [tilespmem:v23+s2+$0x0], $0xffff  }
0x6d: {  	v55 =	vmul.f32 v30, v5;
	[tilespmem:v32+s14+$0x0] =	vst.idx.add.f32.msk $0xffff, v19  }
0x6e: {  	v24 =	vshrl.u32 v54, $0x10;
	[tilespmem:v15+s14+$0x0] =	vst.idx.add.f32.msk $0xffff, v8;
	v8 =	vmul.f32 v16, v7  }
0x6f: {  	v13 =	vadd.s32 $0x7800, v13;
	[tilespmem:v22+s14+$0x0] =	vst.idx.add.f32.msk $0xffff, v55  }
0x70: {  	v16 =	vadd.s32 $0x2800, v26;
	[tilespmem:v11+s14+$0x0] =	vst.idx.add.f32.msk $0xffff, v8  }
0x71: {  	v8 =	vadd.s32 $0x2800, v27;
	v56 =	vld.idx.msk [tilespmem:v31+s2+$0x0], $0xffff;
	v17 =	vmul.f32 v17, v6  }
0x72: {  	v57 =	vadd.s32 $0x2800, v23;
	v15 =	vld.idx.msk [tilespmem:v28+s2+$0x0], $0xffff  }
0x73: {  	[tilespmem:v24+s14+$0x0] =	vst.idx.add.f32.msk $0xffff, v17;
	v17 =	vadd.s32 $0x2800, v11  }
0x74: {  	v19 =	vadd.s32 $0x5000, v25;
	v60 =	vld.idx.msk [tilespmem:v13+s2+$0x0], $0xffff  }
0x75: {  	v16 =	vld.idx.msk [tilespmem:v16+s2+$0x0], $0xffff  }
0x76: {  	v20 =	vadd.s32 $0x7800, v20;
	v8 =	vld.idx.msk [tilespmem:v8+s2+$0x0], $0xffff;
	v29 =	vmul.f32 v56, v7  }
0x77: {  	v21 =	vadd.s32 $0x7800, v21;
	v58 =	vld.idx.msk [tilespmem:v57+s2+$0x0], $0xffff  }
0x78: {  	v59 =	vadd.s32 $0x2800, v32;
	[tilespmem:v17+s14+$0x0] =	vst.idx.add.f32.msk $0xffff, v29  }
0x79: {  	v9 =	vmul.f32 v10, v9;
	v13 =	vadd.s32 $0x2800, v22;
	v12 =	vmul.f32 v15, v12;
	v15 =	vld.idx.msk [tilespmem:v19+s2+$0x0], $0xffff  }
0x7a: {  	v10 =	vadd.s32 $0x2800, v24  }
0x7b: {  	v61 =	vadd.s32 $0x5000, v26;
	[tilespmem:v20+s14+$0x0] =	vst.idx.add.f32.msk $0xffff, v9;
	v16 =	vmul.f32 v16, v4  }
0x7c: {  	v20 =	vadd.s32 $0x5000, v27;
	[tilespmem:v21+s14+$0x0] =	vst.idx.add.f32.msk $0xffff, v12;
	v9 =	vmul.f32 v8, v5  }
0x7d: {  	v62 =	vadd.s32 $0x5000, v11;
	[tilespmem:v59+s14+$0x0] =	vst.idx.add.f32.msk $0xffff, v16;
	v21 =	vmul.f32 v58, v6;
	v19 =	vadd.s32 $0x5000, v23  }
0x7e: {  	[tilespmem:v13+s14+$0x0] =	vst.idx.add.f32.msk $0xffff, v9;
	v63 =	vmul.f32 v15, v7;
	v15 =	vadd.s32 $0x7800, v23;
	v23 =	vadd.s32 $0x7800, v25  }
0x7f: {  	v18 =	vmul.f32 v60, v18;
	[tilespmem:v10+s14+$0x0] =	vst.idx.add.f32.msk $0xffff, v21  }
0x80: {  	v12 =	vadd.s32 $0x7800, v26;
	v17 =	vadd.s32 $0x5000, v32;
	v8 =	vadd.s32 $0x7800, v14;
	v21 =	vld.idx.msk [tilespmem:v61+s2+$0x0], $0xffff  }
0x81: {  	v16 =	vadd.s32 $0x5000, v22;
	v14 =	vadd.s32 $0x5000, v24;
	v9 =	vadd.s32 $0x7800, v22;
	v22 =	vld.idx.msk [tilespmem:v20+s2+$0x0], $0xffff  }
0x82: {  	s19 =	simm.s32 $0x14040;
	s20 =	simm.s32 $0x8;
	s18 =	simm.s32 $0x4;
	v13 =	vadd.s32 $0x7800, v27;
	v10 =	vadd.s32 $0x7800, v32;
	v20 =	vadd.s32 $0x7800, v24;
	[tilespmem:v62+s14+$0x0] =	vst.idx.add.f32.msk $0xffff, v63  }
.LBB2_11:
0x83: {  	s21 =	sshll.u32 s20, $0x4;
	s18 =	sadd.s32 $0x4, s18;
	v23 =	vld.idx.msk [tilespmem:v23+s2+$0x0], $0xffff  }
0x84: {  	s19 =	sadd.s32 $0x40, s19;
	s21 =	sand.u32 $0x3FFFFF80, s21;
	p0 =	slt.u32 s18, $0x4C;
	v19 =	vld.idx.msk [tilespmem:v19+s2+$0x0], $0xffff  }
0x85: {  	s21 =	sadd.s32 s21, s19;
	[tilespmem:v8+s14+$0x0] =	vst.idx.add.f32.msk $0xffff, v18;
	v8 =	vmov v20  }
0x86: {  	v11 =	vadd.s32 $0x7800, v11;
	v20 =	vmul.f32 v21, v4;
	v18 =	vld [tilespmem:s21+$0x30]  }
0x87: {  	v22 =	vmul.f32 v22, v5;
	v21 =	vld [tilespmem:s21+$0x0]  }
0x88: {  	v24 =	vld [tilespmem:s21+$0x10]  }
0x89: {  	v7 =	vmul.f32 v23, v7;
	v25 =	vld [tilespmem:s21+$0x20]  }
0x8a: {  	v26 =	vmul.f32 v19, v6;
	v23 =	vld [tilespmem:s21+$0x80]  }
0x8b: {  	v27 =	vand.u32 $0xFFFF, v18;
	[tilespmem:v11+s14+$0x0] =	vst.idx.add.f32.msk $0xffff, v7  }
0x8c: {  	v28 =	vshrl.u32 v21, $0x10;
	v11 =	vand.u32 $0xFFFF, v21;
	v21 =	vld [tilespmem:s21+$0x90]  }
0x8d: {  	v29 =	vadd.s32 $0x2800, v11;
	v30 =	vshrl.u32 v24, $0x10;
	v24 =	vand.u32 $0xFFFF, v24;
	v31 =	vld [tilespmem:s21+$0xA0]  }
0x8e: {  	v32 =	vadd.s32 $0x2800, v24;
	v33 =	vshrl.u32 v25, $0x10;
	v25 =	vand.u32 $0xFFFF, v25;
	[tilespmem:v17+s14+$0x0] =	vst.idx.add.f32.msk $0xffff, v20  }
0x8f: {  	v34 =	vadd.s32 $0x2800, v28;
	v35 =	vadd.s32 $0x2800, v30;
	v36 =	vadd.s32 $0x2800, v25;
	[tilespmem:v16+s14+$0x0] =	vst.idx.add.f32.msk $0xffff, v22  }
0x90: {  	v37 =	vadd.s32 $0x5000, v24;
	v22 =	vadd.s32 $0x5000, v11;
	v38 =	vadd.s32 $0x2800, v33;
	v39 =	vld.idx.msk [tilespmem:v27+s2+$0x0], $0xffff  }
0x91: {  	v17 =	vadd.s32 $0x5000, v28;
	v16 =	vadd.s32 $0x5000, v30;
	v19 =	vadd.s32 $0x5000, v25;
	v7 =	vld [tilespmem:s21+$0xB0]  }
0x92: {  	v41 =	vadd.s32 $0x7800, v11;
	v42 =	vadd.s32 $0x7800, v24;
	v43 =	vadd.s32 $0x5000, v33;
	v40 =	vld.idx.msk [tilespmem:v11+s2+$0x0], $0xffff  }
0x93: {  	v44 =	vadd.s32 $0x7800, v28;
	v45 =	vadd.s32 $0x7800, v25;
	v11 =	vshrl.u32 v18, $0x10;
	v24 =	vld.idx.msk [tilespmem:v24+s2+$0x0], $0xffff  }
0x94: {  	v46 =	vadd.s32 $0x2800, v27;
	v20 =	vadd.s32 $0x7800, v33;
	v18 =	vadd.s32 $0x7800, v30;
	v25 =	vld.idx.msk [tilespmem:v25+s2+$0x0], $0xffff  }
0x95: {  	[tilespmem:v14+s14+$0x0] =	vst.idx.add.f32.msk $0xffff, v26;
	v14 =	vmov v43  }
0x96: {  	v26 =	vmul.f32 v39, v7;
	v39 =	vld.idx.msk [tilespmem:v12+s2+$0x0], $0xffff;
	v12 =	vmov v41  }
0x97: {  	v41 =	vld.idx.msk [tilespmem:v13+s2+$0x0], $0xffff;
	v13 =	vmov v42  }
0x98: {  	v40 =	vmul.f32 v40, v23;
	[tilespmem:v11+s14+$0x0] =	vst.idx.add.f32.msk $0xffff, v26  }
0x99: {  	v24 =	vmul.f32 v24, v21;
	v26 =	vld.idx.msk [tilespmem:v46+s2+$0x0], $0xffff  }
0x9a: {  	v25 =	vmul.f32 v25, v31;
	[tilespmem:v28+s14+$0x0] =	vst.idx.add.f32.msk $0xffff, v40  }
0x9b: {  	[tilespmem:v30+s14+$0x0] =	vst.idx.add.f32.msk $0xffff, v24  }
0x9c: {  	v24 =	vadd.s32 $0x2800, v11;
	[tilespmem:v33+s14+$0x0] =	vst.idx.add.f32.msk $0xffff, v25;
	v25 =	vmul.f32 v39, v4;
	v4 =	vmov v23  }
0x9d: {  	v28 =	vadd.s32 $0x5000, v27;
	v23 =	vld.idx.msk [tilespmem:v29+s2+$0x0], $0xffff;
	v29 =	vmul.f32 v41, v5;
	v5 =	vmov v21  }
0x9e: {  	v21 =	vld.idx.msk [tilespmem:v32+s2+$0x0], $0xffff  }
0x9f: {  	v26 =	vmul.f32 v26, v7;
	v30 =	vld.idx.msk [tilespmem:v36+s2+$0x0], $0xffff  }
0xa0: {  	v32 =	vld.idx.msk [tilespmem:v15+s2+$0x0], $0xffff;
	v15 =	vmov v45  }
0xa1: {  	[tilespmem:v24+s14+$0x0] =	vst.idx.add.f32.msk $0xffff, v26  }
0xa2: {  	v24 =	vld.idx.msk [tilespmem:v28+s2+$0x0], $0xffff  }
0xa3: {  	v23 =	vmul.f32 v23, v4;
	[tilespmem:v10+s14+$0x0] =	vst.idx.add.f32.msk $0xffff, v25;
	v10 =	vmov v44  }
0xa4: {  	v21 =	vmul.f32 v21, v5;
	[tilespmem:v9+s14+$0x0] =	vst.idx.add.f32.msk $0xffff, v29;
	v9 =	vmov v18  }
0xa5: {  	v26 =	vadd.s32 $0x5000, v11;
	v25 =	vmul.f32 v30, v31;
	[tilespmem:v34+s14+$0x0] =	vst.idx.add.f32.msk $0xffff, v23  }
.Ltmp4:
0xa6: {  	v23 =	vadd.s32 $0x7800, v27;
	v18 =	vmul.f32 v32, v6;
	v6 =	vmov v31;
	[tilespmem:v35+s14+$0x0] =	vst.idx.add.f32.msk $0xffff, v21;
	(pc) =	sbr.rel @p0 .LBB2_11-.Ltmp4, $4  }
0xa7: {  	[tilespmem:v38+s14+$0x0] =	vst.idx.add.f32.msk $0xffff, v25  }
0xa8: {  	v24 =	vmul.f32 v24, v7;
	v21 =	vld.idx.msk [tilespmem:v22+s2+$0x0], $0xffff  }
0xa9: {  	v22 =	vld.idx.msk [tilespmem:v37+s2+$0x0], $0xffff  }
0xaa: {  	s20 =	sadd.s32 $0x4, s20;
	[tilespmem:v26+s14+$0x0] =	vst.idx.add.f32.msk $0xffff, v24  }
0xab: {  	_ =	sdelay $0x3  }
0xac: {  	v19 =	vld.idx.msk [tilespmem:v19+s2+$0x0], $0xffff  }
0xad: {  	v21 =	vmul.f32 v21, v4  }
0xae: {  	v23 =	vld.idx.msk [tilespmem:v23+s2+$0x0], $0xffff;
	v22 =	vmul.f32 v22, v5  }
0xaf: {  	[tilespmem:v17+s14+$0x0] =	vst.idx.add.f32.msk $0xffff, v21  }
0xb0: {  	[tilespmem:v16+s14+$0x0] =	vst.idx.add.f32.msk $0xffff, v22  }
0xb1: {  	v19 =	vmul.f32 v19, v6;
	v12 =	vld.idx.msk [tilespmem:v12+s2+$0x0], $0xffff  }
0xb2: {  	v13 =	vld.idx.msk [tilespmem:v13+s2+$0x0], $0xffff  }
0xb3: {  	v11 =	vadd.s32 $0x7800, v11;
	[tilespmem:v14+s14+$0x0] =	vst.idx.add.f32.msk $0xffff, v19  }
0xb4: {  	v14 =	vld.idx.msk [tilespmem:v15+s2+$0x0], $0xffff;
	_ =	sdelay $0x1  }
0xb5: {  	v7 =	vmul.f32 v23, v7  }
0xb6: {  	[tilespmem:v8+s14+$0x0] =	vst.idx.add.f32.msk $0xffff, v18;
	s18 =	smul.u32 $0x1400, s17;
	v4 =	vmul.f32 v12, v4  }
0xb7: {  	[tilespmem:v11+s14+$0x0] =	vst.idx.add.f32.msk $0xffff, v7;
	v5 =	vmul.f32 v13, v5  }
0xb8: {  	s18 =	sshrl.u32 s18, $0x3;
	[tilespmem:v10+s14+$0x0] =	vst.idx.add.f32.msk $0xffff, v4;
	v4 =	vmul.f32 v14, v6  }
0xb9: {  	s18 =	sadd.s32 s3, s18;
	[tilespmem:v9+s14+$0x0] =	vst.idx.add.f32.msk $0xffff, v5  }
0xba: {  	s20 =	simm.s32 $0x0;
	s19 =	sadd.s32 $0x280, s18;
	[tilespmem:v20+s14+$0x0] =	vst.idx.add.f32.msk $0xffff, v4  }
0xbb: {  	[tilespmem:s11], [sflag:$0x1] =	stream.linear.gather [hbm4b:s19+s20], $0xA00, $0x38;
	[tilespmem:$0x15440] =	vst v63  }
0xbc: {  	s30 =	simm.s32 $0x0;
	_ =	swait.ge [sflag:s15], $0xA00  }
0xbd: {  	s19 =	sand.u32 $0x3FFFFF80, s30;
	[sflag:s15] =	ssyncset.done $0x0  }
0xbe: {  	s19 =	sadd.s32 $0x14A00, s19;
	[sflag:s15] =	ssyncadd.s32 $0xFFFFF600  }
0xbf: {  	v4 =	vld [tilespmem:s19+$0x30]  }
0xc0: {  	v5 =	vld [tilespmem:s19+$0x0];
	_ =	sdelay $0x1  }
0xc1: {  	v7 =	vld [tilespmem:s19+$0x20];
	_ =	sdelay $0x1  }
0xc2: {  	v6 =	vld [tilespmem:s19+$0x10];
	v8 =	vand.u32 $0xFFFF, v4  }
0xc3: {  	v10 =	vand.u32 $0xFFFF, v5;
	_ =	sdelay $0x1  }
0xc4: {  	v9 =	vld [tilespmem:s19+$0x80];
	v13 =	vand.u32 $0xFFFF, v7  }
0xc5: {  	v15 =	vld [tilespmem:s19+$0xB0]  }
0xc6: {  	v11 =	vand.u32 $0xFFFF, v6;
	v14 =	vld.idx.msk [tilespmem:v8+s2+$0x0], $0xffff  }
0xc7: {  	v16 =	vld.idx.msk [tilespmem:v10+s2+$0x0], $0xffff  }
0xc8: {  	v18 =	vld [tilespmem:s19+$0xA0];
	v4 =	vshrl.u32 v4, $0x10  }
0xc9: {  	v20 =	vshrl.u32 v5, $0x10;
	v5 =	vld.idx.msk [tilespmem:v13+s2+$0x0], $0xffff  }
0xca: {  	v12 =	vld [tilespmem:s19+$0x90];
	v19 =	vadd.s32 $0x2800, v8  }
0xcb: {  	v21 =	vshrl.u32 v6, $0x10;
	v17 =	vld.idx.msk [tilespmem:v11+s2+$0x0], $0xffff;
	v6 =	vmul.f32 v14, v15;
	v14 =	vshrl.u32 v7, $0x10  }
0xcc: {  	v7 =	vadd.s32 $0x2800, v10;
	v16 =	vmul.f32 v16, v9  }
0xcd: {  	[tilespmem:v4+s14+$0x0] =	vst.idx.add.f32.msk $0xffff, v6  }
0xce: {  	v5 =	vmul.f32 v5, v18;
	v6 =	vadd.s32 $0x2800, v11;
	[tilespmem:v20+s14+$0x0] =	vst.idx.add.f32.msk $0xffff, v16  }
0xcf: {  	v22 =	vadd.s32 $0x2800, v13;
	v19 =	vld.idx.msk [tilespmem:v19+s2+$0x0], $0xffff  }
0xd0: {  	v17 =	vmul.f32 v17, v12;
	[tilespmem:v14+s14+$0x0] =	vst.idx.add.f32.msk $0xffff, v5  }
0xd1: {  	v5 =	vadd.s32 $0x2800, v4;
	v7 =	vld.idx.msk [tilespmem:v7+s2+$0x0], $0xffff  }
0xd2: {  	[tilespmem:v21+s14+$0x0] =	vst.idx.add.f32.msk $0xffff, v17;
	v16 =	vadd.s32 $0x5000, v8  }
0xd3: {  	v17 =	vadd.s32 $0x2800, v20;
	v6 =	vld.idx.msk [tilespmem:v6+s2+$0x0], $0xffff  }
0xd4: {  	v22 =	vld.idx.msk [tilespmem:v22+s2+$0x0], $0xffff;
	v19 =	vmul.f32 v19, v15  }
0xd5: {  	v23 =	vadd.s32 $0x2800, v21  }
0xd6: {  	s31 =	simm.s32 $0x40;
	v24 =	vadd.s32 $0x2800, v14;
	[tilespmem:v5+s14+$0x0] =	vst.idx.add.f32.msk $0xffff, v19;
	v7 =	vmul.f32 v7, v9  }
0xd7: {  	s19 =	sand.u32 $0x3FFFFF80, s31;
	v19 =	vadd.s32 $0x5000, v11;
	v16 =	vld.idx.msk [tilespmem:v16+s2+$0x0], $0xffff  }
0xd8: {  	s19 =	sadd.s32 $0x14A40, s19;
	v6 =	vmul.f32 v6, v12;
	[tilespmem:v17+s14+$0x0] =	vst.idx.add.f32.msk $0xffff, v7  }
0xd9: {  	v7 =	vmul.f32 v22, v18;
	v17 =	vadd.s32 $0x5000, v4;
	v22 =	vld [tilespmem:s19+$0x10]  }
0xda: {  	[tilespmem:v23+s14+$0x0] =	vst.idx.add.f32.msk $0xffff, v6;
	v6 =	vadd.s32 $0x7800, v8  }
0xdb: {  	[tilespmem:v24+s14+$0x0] =	vst.idx.add.f32.msk $0xffff, v7  }
0xdc: {  	v5 =	vadd.s32 $0x5000, v10;
	v7 =	vmul.f32 v16, v15;
	v16 =	vld.idx.msk [tilespmem:v19+s2+$0x0], $0xffff  }
0xdd: {  	v19 =	vld [tilespmem:s19+$0x0]  }
0xde: {  	[tilespmem:v17+s14+$0x0] =	vst.idx.add.f32.msk $0xffff, v7  }
0xdf: {  	v8 =	vadd.s32 $0x5000, v13;
	v6 =	vld.idx.msk [tilespmem:v6+s2+$0x0], $0xffff  }
0xe0: {  	v54 =	vld [tilespmem:s19+$0x20];
	v27 =	vand.u32 $0xFFFF, v22  }
0xe1: {  	v5 =	vld.idx.msk [tilespmem:v5+s2+$0x0], $0xffff;
	v7 =	vadd.s32 $0x7800, v4  }
0xe2: {  	v17 =	vld [tilespmem:s19+$0x30]  }
0xe3: {  	v4 =	vld [tilespmem:s19+$0x80];
	v26 =	vand.u32 $0xFFFF, v19  }
0xe4: {  	v23 =	vadd.s32 $0x5000, v20;
	v8 =	vld.idx.msk [tilespmem:v8+s2+$0x0], $0xffff;
	v6 =	vmul.f32 v6, v15  }
0xe5: {  	v30 =	vld.idx.msk [tilespmem:v27+s2+$0x0], $0xffff  }
0xe6: {  	v15 =	vadd.s32 $0x5000, v21;
	[tilespmem:v7+s14+$0x0] =	vst.idx.add.f32.msk $0xffff, v6  }
0xe7: {  	v25 =	vand.u32 $0xFFFF, v17;
	v7 =	vmul.f32 v5, v9;
	v5 =	vld [tilespmem:s19+$0x90]  }
0xe8: {  	v29 =	vld.idx.msk [tilespmem:v26+s2+$0x0], $0xffff  }
0xe9: {  	v10 =	vadd.s32 $0x7800, v10;
	v16 =	vmul.f32 v16, v12;
	[tilespmem:v23+s14+$0x0] =	vst.idx.add.f32.msk $0xffff, v7  }
0xea: {  	v23 =	vand.u32 $0xFFFF, v54;
	v7 =	vld [tilespmem:s19+$0xB0]  }
0xeb: {  	v32 =	vshrl.u32 v19, $0x10;
	[tilespmem:v15+s14+$0x0] =	vst.idx.add.f32.msk $0xffff, v16  }
0xec: {  	v15 =	vadd.s32 $0x5000, v14;
	v16 =	vld.idx.msk [tilespmem:v25+s2+$0x0], $0xffff  }
0xed: {  	v22 =	vshrl.u32 v22, $0x10;
	v6 =	vld [tilespmem:s19+$0xA0]  }
0xee: {  	v28 =	vadd.s32 $0x7800, v11;
	v11 =	vshrl.u32 v17, $0x10;
	v10 =	vld.idx.msk [tilespmem:v10+s2+$0x0], $0xffff;
	v19 =	vmul.f32 v29, v4  }
0xef: {  	v8 =	vmul.f32 v8, v18;
	v31 =	vadd.s32 $0x2800, v25;
	v17 =	vld.idx.msk [tilespmem:v23+s2+$0x0], $0xffff  }
0xf0: {  	v55 =	vmul.f32 v30, v5;
	[tilespmem:v32+s14+$0x0] =	vst.idx.add.f32.msk $0xffff, v19  }
0xf1: {  	v24 =	vshrl.u32 v54, $0x10;
	[tilespmem:v15+s14+$0x0] =	vst.idx.add.f32.msk $0xffff, v8;
	v8 =	vmul.f32 v16, v7  }
0xf2: {  	v13 =	vadd.s32 $0x7800, v13;
	[tilespmem:v22+s14+$0x0] =	vst.idx.add.f32.msk $0xffff, v55  }
0xf3: {  	v16 =	vadd.s32 $0x2800, v26;
	[tilespmem:v11+s14+$0x0] =	vst.idx.add.f32.msk $0xffff, v8  }
0xf4: {  	v8 =	vadd.s32 $0x2800, v27;
	v56 =	vld.idx.msk [tilespmem:v31+s2+$0x0], $0xffff;
	v17 =	vmul.f32 v17, v6  }
0xf5: {  	v57 =	vadd.s32 $0x2800, v23;
	v15 =	vld.idx.msk [tilespmem:v28+s2+$0x0], $0xffff  }
0xf6: {  	[tilespmem:v24+s14+$0x0] =	vst.idx.add.f32.msk $0xffff, v17;
	v17 =	vadd.s32 $0x2800, v11  }
0xf7: {  	v19 =	vadd.s32 $0x5000, v25;
	v60 =	vld.idx.msk [tilespmem:v13+s2+$0x0], $0xffff  }
0xf8: {  	v16 =	vld.idx.msk [tilespmem:v16+s2+$0x0], $0xffff  }
0xf9: {  	v20 =	vadd.s32 $0x7800, v20;
	v8 =	vld.idx.msk [tilespmem:v8+s2+$0x0], $0xffff;
	v29 =	vmul.f32 v56, v7  }
0xfa: {  	v21 =	vadd.s32 $0x7800, v21;
	v58 =	vld.idx.msk [tilespmem:v57+s2+$0x0], $0xffff  }
0xfb: {  	v59 =	vadd.s32 $0x2800, v32;
	[tilespmem:v17+s14+$0x0] =	vst.idx.add.f32.msk $0xffff, v29  }
0xfc: {  	v9 =	vmul.f32 v10, v9;
	v13 =	vadd.s32 $0x2800, v22;
	v12 =	vmul.f32 v15, v12;
	v15 =	vld.idx.msk [tilespmem:v19+s2+$0x0], $0xffff  }
0xfd: {  	v10 =	vadd.s32 $0x2800, v24  }
0xfe: {  	v61 =	vadd.s32 $0x5000, v26;
	[tilespmem:v20+s14+$0x0] =	vst.idx.add.f32.msk $0xffff, v9;
	v16 =	vmul.f32 v16, v4  }
0xff: {  	v20 =	vadd.s32 $0x5000, v27;
	[tilespmem:v21+s14+$0x0] =	vst.idx.add.f32.msk $0xffff, v12;
	v9 =	vmul.f32 v8, v5  }
0x100: {  	v62 =	vadd.s32 $0x5000, v11;
	[tilespmem:v59+s14+$0x0] =	vst.idx.add.f32.msk $0xffff, v16;
	v21 =	vmul.f32 v58, v6;
	v19 =	vadd.s32 $0x5000, v23  }
0x101: {  	[tilespmem:v13+s14+$0x0] =	vst.idx.add.f32.msk $0xffff, v9;
	v63 =	vmul.f32 v15, v7;
	v15 =	vadd.s32 $0x7800, v23;
	v23 =	vadd.s32 $0x7800, v25  }
0x102: {  	v18 =	vmul.f32 v60, v18;
	[tilespmem:v10+s14+$0x0] =	vst.idx.add.f32.msk $0xffff, v21  }
0x103: {  	v12 =	vadd.s32 $0x7800, v26;
	v17 =	vadd.s32 $0x5000, v32;
	v8 =	vadd.s32 $0x7800, v14;
	v21 =	vld.idx.msk [tilespmem:v61+s2+$0x0], $0xffff  }
0x104: {  	v16 =	vadd.s32 $0x5000, v22;
	v14 =	vadd.s32 $0x5000, v24;
	v10 =	vadd.s32 $0x7800, v22;
	v22 =	vld.idx.msk [tilespmem:v20+s2+$0x0], $0xffff  }
0x105: {  	s21 =	simm.s32 $0x8;
	s20 =	simm.s32 $0x14A40;
	s19 =	simm.s32 $0x4;
	v13 =	vadd.s32 $0x7800, v27;
	v9 =	vadd.s32 $0x7800, v32;
	v20 =	vadd.s32 $0x7800, v24;
	[tilespmem:v62+s14+$0x0] =	vst.idx.add.f32.msk $0xffff, v63  }
.LBB2_13:
0x106: {  	s22 =	sshll.u32 s21, $0x4;
	s19 =	sadd.s32 $0x4, s19;
	v23 =	vld.idx.msk [tilespmem:v23+s2+$0x0], $0xffff  }
0x107: {  	s20 =	sadd.s32 $0x40, s20;
	s22 =	sand.u32 $0x3FFFFF80, s22;
	p0 =	slt.u32 s19, $0x4C;
	v19 =	vld.idx.msk [tilespmem:v19+s2+$0x0], $0xffff  }
0x108: {  	s22 =	sadd.s32 s22, s20;
	[tilespmem:v8+s14+$0x0] =	vst.idx.add.f32.msk $0xffff, v18;
	v8 =	vmov v20  }
0x109: {  	v11 =	vadd.s32 $0x7800, v11;
	v20 =	vmul.f32 v21, v4;
	v18 =	vld [tilespmem:s22+$0x30]  }
0x10a: {  	v22 =	vmul.f32 v22, v5;
	v21 =	vld [tilespmem:s22+$0x0]  }
0x10b: {  	v24 =	vld [tilespmem:s22+$0x10]  }
0x10c: {  	v7 =	vmul.f32 v23, v7;
	v25 =	vld [tilespmem:s22+$0x20]  }
0x10d: {  	v26 =	vmul.f32 v19, v6;
	v23 =	vld [tilespmem:s22+$0x80]  }
0x10e: {  	v27 =	vand.u32 $0xFFFF, v18;
	[tilespmem:v11+s14+$0x0] =	vst.idx.add.f32.msk $0xffff, v7  }
0x10f: {  	v28 =	vshrl.u32 v21, $0x10;
	v11 =	vand.u32 $0xFFFF, v21;
	v21 =	vld [tilespmem:s22+$0x90]  }
0x110: {  	v29 =	vadd.s32 $0x2800, v11;
	v30 =	vshrl.u32 v24, $0x10;
	v24 =	vand.u32 $0xFFFF, v24;
	v31 =	vld [tilespmem:s22+$0xA0]  }
0x111: {  	v32 =	vadd.s32 $0x2800, v24;
	v33 =	vshrl.u32 v25, $0x10;
	v25 =	vand.u32 $0xFFFF, v25;
	[tilespmem:v17+s14+$0x0] =	vst.idx.add.f32.msk $0xffff, v20  }
0x112: {  	v34 =	vadd.s32 $0x2800, v28;
	v35 =	vadd.s32 $0x2800, v30;
	v36 =	vadd.s32 $0x2800, v25;
	[tilespmem:v16+s14+$0x0] =	vst.idx.add.f32.msk $0xffff, v22  }
0x113: {  	v37 =	vadd.s32 $0x5000, v24;
	v22 =	vadd.s32 $0x5000, v11;
	v38 =	vadd.s32 $0x2800, v33;
	v39 =	vld.idx.msk [tilespmem:v27+s2+$0x0], $0xffff  }
0x114: {  	v17 =	vadd.s32 $0x5000, v28;
	v16 =	vadd.s32 $0x5000, v30;
	v19 =	vadd.s32 $0x5000, v25;
	v7 =	vld [tilespmem:s22+$0xB0]  }
0x115: {  	v41 =	vadd.s32 $0x7800, v11;
	v42 =	vadd.s32 $0x7800, v24;
	v43 =	vadd.s32 $0x5000, v33;
	v40 =	vld.idx.msk [tilespmem:v11+s2+$0x0], $0xffff  }
0x116: {  	v44 =	vadd.s32 $0x7800, v28;
	v45 =	vadd.s32 $0x7800, v25;
	v11 =	vshrl.u32 v18, $0x10;
	v24 =	vld.idx.msk [tilespmem:v24+s2+$0x0], $0xffff  }
0x117: {  	v46 =	vadd.s32 $0x2800, v27;
	v20 =	vadd.s32 $0x7800, v33;
	v18 =	vadd.s32 $0x7800, v30;
	v25 =	vld.idx.msk [tilespmem:v25+s2+$0x0], $0xffff  }
0x118: {  	[tilespmem:v14+s14+$0x0] =	vst.idx.add.f32.msk $0xffff, v26;
	v14 =	vmov v43  }
0x119: {  	v26 =	vmul.f32 v39, v7;
	v39 =	vld.idx.msk [tilespmem:v12+s2+$0x0], $0xffff;
	v12 =	vmov v41  }
0x11a: {  	v41 =	vld.idx.msk [tilespmem:v13+s2+$0x0], $0xffff;
	v13 =	vmov v42  }
0x11b: {  	v40 =	vmul.f32 v40, v23;
	[tilespmem:v11+s14+$0x0] =	vst.idx.add.f32.msk $0xffff, v26  }
0x11c: {  	v24 =	vmul.f32 v24, v21;
	v26 =	vld.idx.msk [tilespmem:v46+s2+$0x0], $0xffff  }
0x11d: {  	v25 =	vmul.f32 v25, v31;
	[tilespmem:v28+s14+$0x0] =	vst.idx.add.f32.msk $0xffff, v40  }
0x11e: {  	[tilespmem:v30+s14+$0x0] =	vst.idx.add.f32.msk $0xffff, v24  }
0x11f: {  	v24 =	vadd.s32 $0x2800, v11;
	[tilespmem:v33+s14+$0x0] =	vst.idx.add.f32.msk $0xffff, v25;
	v25 =	vmul.f32 v39, v4;
	v4 =	vmov v23  }
0x120: {  	v28 =	vadd.s32 $0x5000, v27;
	v23 =	vld.idx.msk [tilespmem:v29+s2+$0x0], $0xffff;
	v29 =	vmul.f32 v41, v5;
	v5 =	vmov v21  }
0x121: {  	v21 =	vld.idx.msk [tilespmem:v32+s2+$0x0], $0xffff  }
0x122: {  	v26 =	vmul.f32 v26, v7;
	v30 =	vld.idx.msk [tilespmem:v36+s2+$0x0], $0xffff  }
0x123: {  	v32 =	vld.idx.msk [tilespmem:v15+s2+$0x0], $0xffff;
	v15 =	vmov v45  }
0x124: {  	[tilespmem:v24+s14+$0x0] =	vst.idx.add.f32.msk $0xffff, v26  }
0x125: {  	v24 =	vld.idx.msk [tilespmem:v28+s2+$0x0], $0xffff  }
0x126: {  	v23 =	vmul.f32 v23, v4;
	[tilespmem:v9+s14+$0x0] =	vst.idx.add.f32.msk $0xffff, v25;
	v9 =	vmov v44  }
0x127: {  	v21 =	vmul.f32 v21, v5;
	[tilespmem:v10+s14+$0x0] =	vst.idx.add.f32.msk $0xffff, v29;
	v10 =	vmov v18  }
0x128: {  	v26 =	vadd.s32 $0x5000, v11;
	v25 =	vmul.f32 v30, v31;
	[tilespmem:v34+s14+$0x0] =	vst.idx.add.f32.msk $0xffff, v23  }
.Ltmp5:
0x129: {  	v23 =	vadd.s32 $0x7800, v27;
	v18 =	vmul.f32 v32, v6;
	v6 =	vmov v31;
	[tilespmem:v35+s14+$0x0] =	vst.idx.add.f32.msk $0xffff, v21;
	(pc) =	sbr.rel @p0 .LBB2_13-.Ltmp5, $4  }
0x12a: {  	[tilespmem:v38+s14+$0x0] =	vst.idx.add.f32.msk $0xffff, v25  }
0x12b: {  	v24 =	vmul.f32 v24, v7;
	v21 =	vld.idx.msk [tilespmem:v22+s2+$0x0], $0xffff  }
0x12c: {  	v22 =	vld.idx.msk [tilespmem:v37+s2+$0x0], $0xffff  }
0x12d: {  	s21 =	sadd.s32 $0x4, s21;
	[tilespmem:v26+s14+$0x0] =	vst.idx.add.f32.msk $0xffff, v24  }
0x12e: {  	_ =	sdelay $0x3  }
0x12f: {  	v19 =	vld.idx.msk [tilespmem:v19+s2+$0x0], $0xffff  }
0x130: {  	v21 =	vmul.f32 v21, v4  }
0x131: {  	v23 =	vld.idx.msk [tilespmem:v23+s2+$0x0], $0xffff;
	v22 =	vmul.f32 v22, v5  }
0x132: {  	[tilespmem:v17+s14+$0x0] =	vst.idx.add.f32.msk $0xffff, v21  }
0x133: {  	[tilespmem:v16+s14+$0x0] =	vst.idx.add.f32.msk $0xffff, v22  }
0x134: {  	v19 =	vmul.f32 v19, v6;
	v12 =	vld.idx.msk [tilespmem:v12+s2+$0x0], $0xffff  }
0x135: {  	v13 =	vld.idx.msk [tilespmem:v13+s2+$0x0], $0xffff  }
0x136: {  	v11 =	vadd.s32 $0x7800, v11;
	[tilespmem:v14+s14+$0x0] =	vst.idx.add.f32.msk $0xffff, v19  }
0x137: {  	v14 =	vld.idx.msk [tilespmem:v15+s2+$0x0], $0xffff;
	_ =	sdelay $0x1  }
0x138: {  	s17 =	sadd.s32 $0x1, s17;
	v7 =	vmul.f32 v23, v7  }
0x139: {  	[tilespmem:v8+s14+$0x0] =	vst.idx.add.f32.msk $0xffff, v18;
	p0 =	sne.s32 s17, $0x7D;
	v4 =	vmul.f32 v12, v4  }
.Ltmp6:
0x13a: {  	[tilespmem:v11+s14+$0x0] =	vst.idx.add.f32.msk $0xffff, v7;
	v5 =	vmul.f32 v13, v5;
	(pc) =	sbr.rel @p0 .LBB2_10-.Ltmp6, $4  }
0x13b: {  	[tilespmem:v9+s14+$0x0] =	vst.idx.add.f32.msk $0xffff, v4;
	v4 =	vmul.f32 v14, v6  }
0x13c: {  	[tilespmem:v10+s14+$0x0] =	vst.idx.add.f32.msk $0xffff, v5  }
0x13d: {  	s18 =	sadd.s32 $0x3C0, s18;
	[tilespmem:v20+s14+$0x0] =	vst.idx.add.f32.msk $0xffff, v4  }
0x13e: {  	[tilespmem:s12], [sflag:$0x2] =	stream.linear.gather [hbm4b:s18+s2], $0xA00, $0x38;
	[tilespmem:$0x15440] =	vst v63  }
0x13f: {  	_ =	swait.ge [sflag:s13], $0xA00  }
0x140: {  	[sflag:s13] =	ssyncset.done $0x0  }
0x141: {  	[sflag:s13] =	ssyncadd.s32 $0xFFFFF600  }
0x142: {  	s16 =	sadd.s32 $0x1, s16;
	_ =	swait.ge [sflag:s15], $0xA00  }
0x143: {  	p0 =	sne.s32 s16, s7;
	[sflag:s15] =	ssyncset.done $0x0  }
.Ltmp7:
0x144: {  	[sflag:s15] =	ssyncadd.s32 $0xFFFFF600;
	(pc) =	sbr.rel @p0 .LBB2_1-.Ltmp7, $4  }
0x145: {  	[hbm4b:s6+s2] =	stream.linear.scatter [tilespmem:s14], [sflag:$0x3], $0xA000, $0x38;
	[tilespmem:$0x15440] =	vst v63  }
0x146: {  	_ =	swait.ge [sflag:s9], $0xA000  }
0x147: {  	[sflag:s9] =	ssyncset.done $0x0  }
0x148: {  	[sflag:s9] =	ssyncadd.s32 $0xFFFF6000  }
0x149: {  	_ =	sfence.sel $0x180000  }
0x14a: {  	[bflag:$0x0] =	sbarrier.arrive $0xFFFF  }
0x14b: {  	p0 =	sne.s32 s0, $0x0;
	_ =	strace $0x90000047  }
0x14c: {  	s0 =	sadd.s32 @!p0 $0x100000, s1;
	[bflag:$0x2] =	sbarrier.arrive $0xFFFF  }
0x14d: {  	[sflag:s0] =	ssyncadd.tile.s32 @!p0 $0x1;
	_ =	shalt  }
.Lfunc_end2:
_tile_overlayer_lowered:
.L_overlay_start_2:
0x14e: {  	(tag) =	ssettag $0x2  }
0x14f: {  	s0 =	rddreg [dreg:$0x0];
	s2 =	stileid.u32  }
0x150: {  	s1 =	rddreg [dreg:$0x1];
	p0 =	sne.s32 s2, $0x0  }
0x151: {  	s3 =	rddreg [dreg:$0x2];
	[bflag:$0x3] =	sbarrier.arrive $0xFFFF;
	s2 =	simm.s32 @!p0 $0x1C03  }
0x152: {  	[timem:s3], [sflag:s2] =	dma.local @!p0 [hbm:s0], s1  }
0x153: {  	s0 =	simm.s32 @!p0 $0x3  }
0x154: {  	_ =	swait.ge @!p0 [sflag:s0], s1  }
0x155: {  	s1 =	ssub.s32 @!p0 $0x0, s1;
	[sflag:s0] =	ssyncset.done @!p0 $0x0  }
0x156: {  	[sflag:s0] =	ssyncadd.s32 @!p0 s1  }
0x157: {  	[bflag:$0x3] =	sbarrier.arrive $0xFFFF  }
0x158: {  	_ =	shalt  }

</sc_bundles>
